<compile_context>
chip_gen: v7x
topology: tpu7x:2x2x1
jax: 0.10.2.dev20260603
libtpu: 0.0.44.dev20260713+nightly
codegen_flags: <defaults>
</compile_context>

<pallas_src>
import functools

import jax
import jax.numpy as jnp
from jax import lax
from jax.experimental import pallas as pl
from jax.experimental.pallas import tpu as pltpu
from jax.experimental.pallas import tpu_sc as plsc

BATCH = 4096
SEQ = 200
N_TOKENS = 10
EMBED_DIM = 64
NPAIR = SEQ // 2
CHUNK = 96
CHUNK1_START = SEQ - CHUNK
IDX_PER_ROW = 2 * CHUNK

_SC_INFO = plsc.get_sparse_core_info()
NUM_WORKERS = _SC_INFO.num_cores * _SC_INFO.num_subcores
ROWS_PER_WORKER = BATCH // NUM_WORKERS
R = 4
G = ROWS_PER_WORKER // R
NBUF = 2


@functools.partial(
    pl.kernel,
    out_type=jax.ShapeDtypeStruct((BATCH * SEQ, EMBED_DIM), jnp.float32),
    mesh=plsc.VectorSubcoreMesh(core_axis_name="c", subcore_axis_name="s"),
    scratch_types=[
        pltpu.VMEM((NBUF, R * IDX_PER_ROW), jnp.int32),
        pltpu.VMEM((NBUF, R * SEQ, EMBED_DIM), jnp.float32),
        [pltpu.SemaphoreType.DMA] * NBUF,
        [pltpu.SemaphoreType.DMA] * NBUF,
        [pltpu.SemaphoreType.DMA] * NBUF,
    ],
    compiler_params=pltpu.CompilerParams(use_tc_tiling_on_sc=False),
)
def _soft_embedding_sc(idx_hbm, table_hbm, learned_hbm, out_hbm,
                       idx_v, buf_v, sem_idx, sem_g, sem_out):
    wid = lax.axis_index("s") * _SC_INFO.num_cores + lax.axis_index("c")
    base = wid * ROWS_PER_WORKER

    for n in range(NBUF):
        for r in range(R):
            pltpu.sync_copy(learned_hbm,
                            buf_v.at[n, pl.ds(r * SEQ, N_TOKENS)])

    pltpu.async_copy(idx_hbm.at[pl.ds(base * IDX_PER_ROW, R * IDX_PER_ROW)],
                     idx_v.at[0], sem_idx[0])

    @pl.loop(0, G, step=NBUF)
    def _(g):
        for n in range(NBUF):
            gi = g + n
            nb = (n + 1) % NBUF

            @pl.when(gi + 1 < G)
            def _():
                pltpu.async_copy(
                    idx_hbm.at[pl.ds((base + (gi + 1) * R) * IDX_PER_ROW,
                                     R * IDX_PER_ROW)],
                    idx_v.at[nb], sem_idx[nb])

            pltpu.make_async_copy(
                idx_hbm.at[pl.ds(0, R * IDX_PER_ROW)],
                idx_v.at[n], sem_idx[n]).wait()

            @pl.when(gi >= NBUF)
            def _():
                pltpu.make_async_copy(
                    buf_v.at[n], out_hbm.at[pl.ds(0, R * SEQ)],
                    sem_out[n]).wait()

            for r in range(R):
                pltpu.async_copy(
                    table_hbm.at[idx_v.at[n, pl.ds(r * IDX_PER_ROW, CHUNK)]],
                    buf_v.at[n, pl.ds(r * SEQ + N_TOKENS, CHUNK)], sem_g[n])
                pltpu.async_copy(
                    table_hbm.at[idx_v.at[n, pl.ds(r * IDX_PER_ROW + CHUNK,
                                                   CHUNK)]],
                    buf_v.at[n, pl.ds(r * SEQ + CHUNK1_START, CHUNK)],
                    sem_g[n])
            for r in range(R):
                pltpu.make_async_copy(
                    table_hbm.at[idx_v.at[n, pl.ds(r * IDX_PER_ROW, CHUNK)]],
                    buf_v.at[n, pl.ds(r * SEQ + N_TOKENS, CHUNK)],
                    sem_g[n]).wait()
                pltpu.make_async_copy(
                    table_hbm.at[idx_v.at[n, pl.ds(r * IDX_PER_ROW + CHUNK,
                                                   CHUNK)]],
                    buf_v.at[n, pl.ds(r * SEQ + CHUNK1_START, CHUNK)],
                    sem_g[n]).wait()

            pltpu.async_copy(
                buf_v.at[n],
                out_hbm.at[pl.ds((base + gi * R) * SEQ, R * SEQ)],
                sem_out[n])

    for n in range(NBUF):
        pltpu.make_async_copy(
            buf_v.at[n], out_hbm.at[pl.ds(0, R * SEQ)], sem_out[n]).wait()


def kernel(tokens, wte_weight, learned_embedding):
    tok32 = tokens.astype(jnp.int32)
    idx = jnp.stack(
        [tok32[:, N_TOKENS:N_TOKENS + CHUNK],
         tok32[:, CHUNK1_START:SEQ]], axis=1)
    idx = idx.reshape(BATCH * IDX_PER_ROW)
    out = _soft_embedding_sc(idx, wte_weight, learned_embedding)
    return out.reshape(BATCH, SEQ, EMBED_DIM)

# --- scband reference (transcript-rebuilt; emitter-appended) ---
"""Pipeline reference for scband-soft-embedding-37237366456559 (READ-ONLY COPY).

The authoritative reference and input builder live on the scoring server;
editing this copy changes nothing except your own understanding.
"""

import jax, jax.numpy as jnp
import numpy as np

VOCAB = 1000000
EMBED_DIM = 64
N_TOKENS = 10
BATCH = 4096
SEQ = 200

def setup_inputs(seed: int = 0) -> dict:
    key = jax.random.key(seed)
    k1, k2 = jax.random.split(key)
    tokens = jax.random.randint(k1, (BATCH, SEQ), 0, VOCAB, dtype=jnp.int64)
    wte_weight = jax.random.normal(k2, (VOCAB, EMBED_DIM), dtype=jnp.float32) * 0.02
    # initialize_from_vocab=True: learned_embedding = wte.weight[:n_tokens].clone()
    learned_embedding = wte_weight[:N_TOKENS]
    return {"tokens": tokens, "wte_weight": wte_weight, "learned_embedding": learned_embedding}

def reference(tokens, wte_weight, learned_embedding):
    n_tokens = learned_embedding.shape[0]
    if tokens.shape[1] > 1:
        input_embedding = jnp.take(wte_weight, tokens[:, n_tokens:], axis=0)
        le = jnp.broadcast_to(learned_embedding[None, :, :], (tokens.shape[0], n_tokens, learned_embedding.shape[1]))
        return jnp.concatenate([le, input_embedding], axis=1)
    else:
        return jnp.take(wte_weight, tokens, axis=0)

if __name__ == "__main__":
    import jax
    _d = setup_inputs()
    print(jax.jit(kernel)(*tuple(_d.values())))

</pallas_src>

<mosaic_0001>
#map = affine_map<(d0, d1) -> (0)>
#map1 = affine_map<(d0, d1) -> (0, 0)>
module attributes {stable_mosaic.version = 14 : i64} {
  func.func @_soft_embedding_sc(%arg0: i32, %arg1: i32, %arg2: memref<786432xi32, #tpu.memory_space<hbm>>, %arg3: memref<1000000x64xf32, #tpu.memory_space<hbm>>, %arg4: memref<10x64xf32, #tpu.memory_space<hbm>>, %arg5: memref<819200x64xf32, #tpu.memory_space<hbm>>, %arg6: memref<2x768xi32, #tpu.memory_space<vmem>>, %arg7: memref<2x800x64xf32, #tpu.memory_space<vmem>>, %arg8: memref<!tpu.dma_semaphore, #tpu.memory_space<semaphore_mem>>, %arg9: memref<!tpu.dma_semaphore, #tpu.memory_space<semaphore_mem>>, %arg10: memref<!tpu.dma_semaphore, #tpu.memory_space<semaphore_mem>>, %arg11: memref<!tpu.dma_semaphore, #tpu.memory_space<semaphore_mem>>, %arg12: memref<!tpu.dma_semaphore, #tpu.memory_space<semaphore_mem>>, %arg13: memref<!tpu.dma_semaphore, #tpu.memory_space<semaphore_mem>>) attributes {dimension_semantics = [#tpu.dimension_semantics<core_parallel>, #tpu.dimension_semantics<subcore_parallel>], iteration_bounds = array<i64: 2, 16>, scalar_prefetch = 0 : i64, scratch_operands = 8 : i64, tpu.core_type = #tpu.core_type<sc_vector_subcore>, window_params = [{transform_indices = #map}, {transform_indices = #map1}, {transform_indices = #map1}, {transform_indices = #map1}]} {
    %mul3A = arith.constant 2 : i32
    %mul3A_0 = arith.muli %arg1, %mul3A : i32
    %add3A = arith.addi %mul3A_0, %arg0 : i32
    %mul3A_1 = arith.constant 128 : i32
    %mul3A_2 = arith.muli %add3A, %mul3A_1 : i32
    %run_scoped3A = arith.constant 0 : i32
    "tpu.region"() ({
      %run_scoped3A_53 = tpu.sem_alloc : memref<!tpu.dma_semaphore, #tpu.memory_space<semaphore_mem>>
      %dma_start3A_54 = arith.constant 0 : i32
      %dma_start3A_55 = arith.constant 0 : i32
      %dma_start3A_56 = tpu.memref_slice %arg7[%run_scoped3A, %dma_start3A_54, %dma_start3A_55] : memref<2x800x64xf32, #tpu.memory_space<vmem>> -> memref<1x10x64xf32, #tpu.memory_space<vmem>>
      %dma_start3A_57 = tpu.memref_squeeze %dma_start3A_56 : memref<1x10x64xf32, #tpu.memory_space<vmem>> -> memref<10x64xf32, #tpu.memory_space<vmem>>
      %dma_start3A_58 = arith.constant 0 : i32
      %dma_start3A_59 = arith.constant 0 : i32
      %dma_start3A_60 = tpu.memref_slice %arg7[%run_scoped3A, %dma_start3A_58, %dma_start3A_59] : memref<2x800x64xf32, #tpu.memory_space<vmem>> -> memref<1x10x64xf32, #tpu.memory_space<vmem>>
      %dma_start3A_61 = tpu.memref_squeeze %dma_start3A_60 : memref<1x10x64xf32, #tpu.memory_space<vmem>> -> memref<10x64xf32, #tpu.memory_space<vmem>>
      tpu.enqueue_dma source(%arg4 : memref<10x64xf32, #tpu.memory_space<hbm>>) target(%dma_start3A_61 : memref<10x64xf32, #tpu.memory_space<vmem>>) target_semaphore(%run_scoped3A_53 : memref<!tpu.dma_semaphore, #tpu.memory_space<semaphore_mem>>)
      %dma_wait3A_62 = arith.constant 0 : i32
      %dma_wait3A_63 = arith.constant 0 : i32
      %dma_wait3A_64 = tpu.memref_slice %arg7[%run_scoped3A, %dma_wait3A_62, %dma_wait3A_63] : memref<2x800x64xf32, #tpu.memory_space<vmem>> -> memref<1x10x64xf32, #tpu.memory_space<vmem>>
      %dma_wait3A_65 = tpu.memref_squeeze %dma_wait3A_64 : memref<1x10x64xf32, #tpu.memory_space<vmem>> -> memref<10x64xf32, #tpu.memory_space<vmem>>
      %dma_wait3A_66 = arith.constant 0 : i32
      %dma_wait3A_67 = arith.constant 0 : i32
      %dma_wait3A_68 = tpu.memref_slice %arg7[%run_scoped3A, %dma_wait3A_66, %dma_wait3A_67] : memref<2x800x64xf32, #tpu.memory_space<vmem>> -> memref<1x10x64xf32, #tpu.memory_space<vmem>>
      %dma_wait3A_69 = tpu.memref_squeeze %dma_wait3A_68 : memref<1x10x64xf32, #tpu.memory_space<vmem>> -> memref<10x64xf32, #tpu.memory_space<vmem>>
      tpu.wait_dma2 semaphore(%run_scoped3A_53 : memref<!tpu.dma_semaphore, #tpu.memory_space<semaphore_mem>>) src(%arg4 : memref<10x64xf32, #tpu.memory_space<hbm>>) dst(%dma_wait3A_69 : memref<10x64xf32, #tpu.memory_space<vmem>>)
      tpu.yield
    }) : () -> ()
    %run_scoped3A_3 = arith.constant 0 : i32
    "tpu.region"() ({
      %run_scoped3A_53 = tpu.sem_alloc : memref<!tpu.dma_semaphore, #tpu.memory_space<semaphore_mem>>
      %dma_start3A_54 = arith.constant 200 : i32
      %dma_start3A_55 = arith.constant 0 : i32
      %dma_start3A_56 = tpu.memref_slice %arg7[%run_scoped3A_3, %dma_start3A_54, %dma_start3A_55] : memref<2x800x64xf32, #tpu.memory_space<vmem>> -> memref<1x10x64xf32, #tpu.memory_space<vmem>>
      %dma_start3A_57 = tpu.memref_squeeze %dma_start3A_56 : memref<1x10x64xf32, #tpu.memory_space<vmem>> -> memref<10x64xf32, #tpu.memory_space<vmem>>
      %dma_start3A_58 = arith.constant 200 : i32
      %dma_start3A_59 = arith.constant 0 : i32
      %dma_start3A_60 = tpu.memref_slice %arg7[%run_scoped3A_3, %dma_start3A_58, %dma_start3A_59] : memref<2x800x64xf32, #tpu.memory_space<vmem>> -> memref<1x10x64xf32, #tpu.memory_space<vmem>>
      %dma_start3A_61 = tpu.memref_squeeze %dma_start3A_60 : memref<1x10x64xf32, #tpu.memory_space<vmem>> -> memref<10x64xf32, #tpu.memory_space<vmem>>
      tpu.enqueue_dma source(%arg4 : memref<10x64xf32, #tpu.memory_space<hbm>>) target(%dma_start3A_61 : memref<10x64xf32, #tpu.memory_space<vmem>>) target_semaphore(%run_scoped3A_53 : memref<!tpu.dma_semaphore, #tpu.memory_space<semaphore_mem>>)
      %dma_wait3A_62 = arith.constant 200 : i32
      %dma_wait3A_63 = arith.constant 0 : i32
      %dma_wait3A_64 = tpu.memref_slice %arg7[%run_scoped3A_3, %dma_wait3A_62, %dma_wait3A_63] : memref<2x800x64xf32, #tpu.memory_space<vmem>> -> memref<1x10x64xf32, #tpu.memory_space<vmem>>
      %dma_wait3A_65 = tpu.memref_squeeze %dma_wait3A_64 : memref<1x10x64xf32, #tpu.memory_space<vmem>> -> memref<10x64xf32, #tpu.memory_space<vmem>>
      %dma_wait3A_66 = arith.constant 200 : i32
      %dma_wait3A_67 = arith.constant 0 : i32
      %dma_wait3A_68 = tpu.memref_slice %arg7[%run_scoped3A_3, %dma_wait3A_66, %dma_wait3A_67] : memref<2x800x64xf32, #tpu.memory_space<vmem>> -> memref<1x10x64xf32, #tpu.memory_space<vmem>>
      %dma_wait3A_69 = tpu.memref_squeeze %dma_wait3A_68 : memref<1x10x64xf32, #tpu.memory_space<vmem>> -> memref<10x64xf32, #tpu.memory_space<vmem>>
      tpu.wait_dma2 semaphore(%run_scoped3A_53 : memref<!tpu.dma_semaphore, #tpu.memory_space<semaphore_mem>>) src(%arg4 : memref<10x64xf32, #tpu.memory_space<hbm>>) dst(%dma_wait3A_69 : memref<10x64xf32, #tpu.memory_space<vmem>>)
      tpu.yield
    }) : () -> ()
    %run_scoped3A_4 = arith.constant 0 : i32
    "tpu.region"() ({
      %run_scoped3A_53 = tpu.sem_alloc : memref<!tpu.dma_semaphore, #tpu.memory_space<semaphore_mem>>
      %dma_start3A_54 = arith.constant 400 : i32
      %dma_start3A_55 = arith.constant 0 : i32
      %dma_start3A_56 = tpu.memref_slice %arg7[%run_scoped3A_4, %dma_start3A_54, %dma_start3A_55] : memref<2x800x64xf32, #tpu.memory_space<vmem>> -> memref<1x10x64xf32, #tpu.memory_space<vmem>>
      %dma_start3A_57 = tpu.memref_squeeze %dma_start3A_56 : memref<1x10x64xf32, #tpu.memory_space<vmem>> -> memref<10x64xf32, #tpu.memory_space<vmem>>
      %dma_start3A_58 = arith.constant 400 : i32
      %dma_start3A_59 = arith.constant 0 : i32
      %dma_start3A_60 = tpu.memref_slice %arg7[%run_scoped3A_4, %dma_start3A_58, %dma_start3A_59] : memref<2x800x64xf32, #tpu.memory_space<vmem>> -> memref<1x10x64xf32, #tpu.memory_space<vmem>>
      %dma_start3A_61 = tpu.memref_squeeze %dma_start3A_60 : memref<1x10x64xf32, #tpu.memory_space<vmem>> -> memref<10x64xf32, #tpu.memory_space<vmem>>
      tpu.enqueue_dma source(%arg4 : memref<10x64xf32, #tpu.memory_space<hbm>>) target(%dma_start3A_61 : memref<10x64xf32, #tpu.memory_space<vmem>>) target_semaphore(%run_scoped3A_53 : memref<!tpu.dma_semaphore, #tpu.memory_space<semaphore_mem>>)
      %dma_wait3A_62 = arith.constant 400 : i32
      %dma_wait3A_63 = arith.constant 0 : i32
      %dma_wait3A_64 = tpu.memref_slice %arg7[%run_scoped3A_4, %dma_wait3A_62, %dma_wait3A_63] : memref<2x800x64xf32, #tpu.memory_space<vmem>> -> memref<1x10x64xf32, #tpu.memory_space<vmem>>
      %dma_wait3A_65 = tpu.memref_squeeze %dma_wait3A_64 : memref<1x10x64xf32, #tpu.memory_space<vmem>> -> memref<10x64xf32, #tpu.memory_space<vmem>>
      %dma_wait3A_66 = arith.constant 400 : i32
      %dma_wait3A_67 = arith.constant 0 : i32
      %dma_wait3A_68 = tpu.memref_slice %arg7[%run_scoped3A_4, %dma_wait3A_66, %dma_wait3A_67] : memref<2x800x64xf32, #tpu.memory_space<vmem>> -> memref<1x10x64xf32, #tpu.memory_space<vmem>>
      %dma_wait3A_69 = tpu.memref_squeeze %dma_wait3A_68 : memref<1x10x64xf32, #tpu.memory_space<vmem>> -> memref<10x64xf32, #tpu.memory_space<vmem>>
      tpu.wait_dma2 semaphore(%run_scoped3A_53 : memref<!tpu.dma_semaphore, #tpu.memory_space<semaphore_mem>>) src(%arg4 : memref<10x64xf32, #tpu.memory_space<hbm>>) dst(%dma_wait3A_69 : memref<10x64xf32, #tpu.memory_space<vmem>>)
      tpu.yield
    }) : () -> ()
    %run_scoped3A_5 = arith.constant 0 : i32
    "tpu.region"() ({
      %run_scoped3A_53 = tpu.sem_alloc : memref<!tpu.dma_semaphore, #tpu.memory_space<semaphore_mem>>
      %dma_start3A_54 = arith.constant 600 : i32
      %dma_start3A_55 = arith.constant 0 : i32
      %dma_start3A_56 = tpu.memref_slice %arg7[%run_scoped3A_5, %dma_start3A_54, %dma_start3A_55] : memref<2x800x64xf32, #tpu.memory_space<vmem>> -> memref<1x10x64xf32, #tpu.memory_space<vmem>>
      %dma_start3A_57 = tpu.memref_squeeze %dma_start3A_56 : memref<1x10x64xf32, #tpu.memory_space<vmem>> -> memref<10x64xf32, #tpu.memory_space<vmem>>
      %dma_start3A_58 = arith.constant 600 : i32
      %dma_start3A_59 = arith.constant 0 : i32
      %dma_start3A_60 = tpu.memref_slice %arg7[%run_scoped3A_5, %dma_start3A_58, %dma_start3A_59] : memref<2x800x64xf32, #tpu.memory_space<vmem>> -> memref<1x10x64xf32, #tpu.memory_space<vmem>>
      %dma_start3A_61 = tpu.memref_squeeze %dma_start3A_60 : memref<1x10x64xf32, #tpu.memory_space<vmem>> -> memref<10x64xf32, #tpu.memory_space<vmem>>
      tpu.enqueue_dma source(%arg4 : memref<10x64xf32, #tpu.memory_space<hbm>>) target(%dma_start3A_61 : memref<10x64xf32, #tpu.memory_space<vmem>>) target_semaphore(%run_scoped3A_53 : memref<!tpu.dma_semaphore, #tpu.memory_space<semaphore_mem>>)
      %dma_wait3A_62 = arith.constant 600 : i32
      %dma_wait3A_63 = arith.constant 0 : i32
      %dma_wait3A_64 = tpu.memref_slice %arg7[%run_scoped3A_5, %dma_wait3A_62, %dma_wait3A_63] : memref<2x800x64xf32, #tpu.memory_space<vmem>> -> memref<1x10x64xf32, #tpu.memory_space<vmem>>
      %dma_wait3A_65 = tpu.memref_squeeze %dma_wait3A_64 : memref<1x10x64xf32, #tpu.memory_space<vmem>> -> memref<10x64xf32, #tpu.memory_space<vmem>>
      %dma_wait3A_66 = arith.constant 600 : i32
      %dma_wait3A_67 = arith.constant 0 : i32
      %dma_wait3A_68 = tpu.memref_slice %arg7[%run_scoped3A_5, %dma_wait3A_66, %dma_wait3A_67] : memref<2x800x64xf32, #tpu.memory_space<vmem>> -> memref<1x10x64xf32, #tpu.memory_space<vmem>>
      %dma_wait3A_69 = tpu.memref_squeeze %dma_wait3A_68 : memref<1x10x64xf32, #tpu.memory_space<vmem>> -> memref<10x64xf32, #tpu.memory_space<vmem>>
      tpu.wait_dma2 semaphore(%run_scoped3A_53 : memref<!tpu.dma_semaphore, #tpu.memory_space<semaphore_mem>>) src(%arg4 : memref<10x64xf32, #tpu.memory_space<hbm>>) dst(%dma_wait3A_69 : memref<10x64xf32, #tpu.memory_space<vmem>>)
      tpu.yield
    }) : () -> ()
    %run_scoped3A_6 = arith.constant 1 : i32
    "tpu.region"() ({
      %run_scoped3A_53 = tpu.sem_alloc : memref<!tpu.dma_semaphore, #tpu.memory_space<semaphore_mem>>
      %dma_start3A_54 = arith.constant 0 : i32
      %dma_start3A_55 = arith.constant 0 : i32
      %dma_start3A_56 = tpu.memref_slice %arg7[%run_scoped3A_6, %dma_start3A_54, %dma_start3A_55] : memref<2x800x64xf32, #tpu.memory_space<vmem>> -> memref<1x10x64xf32, #tpu.memory_space<vmem>>
      %dma_start3A_57 = tpu.memref_squeeze %dma_start3A_56 : memref<1x10x64xf32, #tpu.memory_space<vmem>> -> memref<10x64xf32, #tpu.memory_space<vmem>>
      %dma_start3A_58 = arith.constant 0 : i32
      %dma_start3A_59 = arith.constant 0 : i32
      %dma_start3A_60 = tpu.memref_slice %arg7[%run_scoped3A_6, %dma_start3A_58, %dma_start3A_59] : memref<2x800x64xf32, #tpu.memory_space<vmem>> -> memref<1x10x64xf32, #tpu.memory_space<vmem>>
      %dma_start3A_61 = tpu.memref_squeeze %dma_start3A_60 : memref<1x10x64xf32, #tpu.memory_space<vmem>> -> memref<10x64xf32, #tpu.memory_space<vmem>>
      tpu.enqueue_dma source(%arg4 : memref<10x64xf32, #tpu.memory_space<hbm>>) target(%dma_start3A_61 : memref<10x64xf32, #tpu.memory_space<vmem>>) target_semaphore(%run_scoped3A_53 : memref<!tpu.dma_semaphore, #tpu.memory_space<semaphore_mem>>)
      %dma_wait3A_62 = arith.constant 0 : i32
      %dma_wait3A_63 = arith.constant 0 : i32
      %dma_wait3A_64 = tpu.memref_slice %arg7[%run_scoped3A_6, %dma_wait3A_62, %dma_wait3A_63] : memref<2x800x64xf32, #tpu.memory_space<vmem>> -> memref<1x10x64xf32, #tpu.memory_space<vmem>>
      %dma_wait3A_65 = tpu.memref_squeeze %dma_wait3A_64 : memref<1x10x64xf32, #tpu.memory_space<vmem>> -> memref<10x64xf32, #tpu.memory_space<vmem>>
      %dma_wait3A_66 = arith.constant 0 : i32
      %dma_wait3A_67 = arith.constant 0 : i32
      %dma_wait3A_68 = tpu.memref_slice %arg7[%run_scoped3A_6, %dma_wait3A_66, %dma_wait3A_67] : memref<2x800x64xf32, #tpu.memory_space<vmem>> -> memref<1x10x64xf32, #tpu.memory_space<vmem>>
      %dma_wait3A_69 = tpu.memref_squeeze %dma_wait3A_68 : memref<1x10x64xf32, #tpu.memory_space<vmem>> -> memref<10x64xf32, #tpu.memory_space<vmem>>
      tpu.wait_dma2 semaphore(%run_scoped3A_53 : memref<!tpu.dma_semaphore, #tpu.memory_space<semaphore_mem>>) src(%arg4 : memref<10x64xf32, #tpu.memory_space<hbm>>) dst(%dma_wait3A_69 : memref<10x64xf32, #tpu.memory_space<vmem>>)
      tpu.yield
    }) : () -> ()
    %run_scoped3A_7 = arith.constant 1 : i32
    "tpu.region"() ({
      %run_scoped3A_53 = tpu.sem_alloc : memref<!tpu.dma_semaphore, #tpu.memory_space<semaphore_mem>>
      %dma_start3A_54 = arith.constant 200 : i32
      %dma_start3A_55 = arith.constant 0 : i32
      %dma_start3A_56 = tpu.memref_slice %arg7[%run_scoped3A_7, %dma_start3A_54, %dma_start3A_55] : memref<2x800x64xf32, #tpu.memory_space<vmem>> -> memref<1x10x64xf32, #tpu.memory_space<vmem>>
      %dma_start3A_57 = tpu.memref_squeeze %dma_start3A_56 : memref<1x10x64xf32, #tpu.memory_space<vmem>> -> memref<10x64xf32, #tpu.memory_space<vmem>>
      %dma_start3A_58 = arith.constant 200 : i32
      %dma_start3A_59 = arith.constant 0 : i32
      %dma_start3A_60 = tpu.memref_slice %arg7[%run_scoped3A_7, %dma_start3A_58, %dma_start3A_59] : memref<2x800x64xf32, #tpu.memory_space<vmem>> -> memref<1x10x64xf32, #tpu.memory_space<vmem>>
      %dma_start3A_61 = tpu.memref_squeeze %dma_start3A_60 : memref<1x10x64xf32, #tpu.memory_space<vmem>> -> memref<10x64xf32, #tpu.memory_space<vmem>>
      tpu.enqueue_dma source(%arg4 : memref<10x64xf32, #tpu.memory_space<hbm>>) target(%dma_start3A_61 : memref<10x64xf32, #tpu.memory_space<vmem>>) target_semaphore(%run_scoped3A_53 : memref<!tpu.dma_semaphore, #tpu.memory_space<semaphore_mem>>)
      %dma_wait3A_62 = arith.constant 200 : i32
      %dma_wait3A_63 = arith.constant 0 : i32
      %dma_wait3A_64 = tpu.memref_slice %arg7[%run_scoped3A_7, %dma_wait3A_62, %dma_wait3A_63] : memref<2x800x64xf32, #tpu.memory_space<vmem>> -> memref<1x10x64xf32, #tpu.memory_space<vmem>>
      %dma_wait3A_65 = tpu.memref_squeeze %dma_wait3A_64 : memref<1x10x64xf32, #tpu.memory_space<vmem>> -> memref<10x64xf32, #tpu.memory_space<vmem>>
      %dma_wait3A_66 = arith.constant 200 : i32
      %dma_wait3A_67 = arith.constant 0 : i32
      %dma_wait3A_68 = tpu.memref_slice %arg7[%run_scoped3A_7, %dma_wait3A_66, %dma_wait3A_67] : memref<2x800x64xf32, #tpu.memory_space<vmem>> -> memref<1x10x64xf32, #tpu.memory_space<vmem>>
      %dma_wait3A_69 = tpu.memref_squeeze %dma_wait3A_68 : memref<1x10x64xf32, #tpu.memory_space<vmem>> -> memref<10x64xf32, #tpu.memory_space<vmem>>
      tpu.wait_dma2 semaphore(%run_scoped3A_53 : memref<!tpu.dma_semaphore, #tpu.memory_space<semaphore_mem>>) src(%arg4 : memref<10x64xf32, #tpu.memory_space<hbm>>) dst(%dma_wait3A_69 : memref<10x64xf32, #tpu.memory_space<vmem>>)
      tpu.yield
    }) : () -> ()
    %run_scoped3A_8 = arith.constant 1 : i32
    "tpu.region"() ({
      %run_scoped3A_53 = tpu.sem_alloc : memref<!tpu.dma_semaphore, #tpu.memory_space<semaphore_mem>>
      %dma_start3A_54 = arith.constant 400 : i32
      %dma_start3A_55 = arith.constant 0 : i32
      %dma_start3A_56 = tpu.memref_slice %arg7[%run_scoped3A_8, %dma_start3A_54, %dma_start3A_55] : memref<2x800x64xf32, #tpu.memory_space<vmem>> -> memref<1x10x64xf32, #tpu.memory_space<vmem>>
      %dma_start3A_57 = tpu.memref_squeeze %dma_start3A_56 : memref<1x10x64xf32, #tpu.memory_space<vmem>> -> memref<10x64xf32, #tpu.memory_space<vmem>>
      %dma_start3A_58 = arith.constant 400 : i32
      %dma_start3A_59 = arith.constant 0 : i32
      %dma_start3A_60 = tpu.memref_slice %arg7[%run_scoped3A_8, %dma_start3A_58, %dma_start3A_59] : memref<2x800x64xf32, #tpu.memory_space<vmem>> -> memref<1x10x64xf32, #tpu.memory_space<vmem>>
      %dma_start3A_61 = tpu.memref_squeeze %dma_start3A_60 : memref<1x10x64xf32, #tpu.memory_space<vmem>> -> memref<10x64xf32, #tpu.memory_space<vmem>>
      tpu.enqueue_dma source(%arg4 : memref<10x64xf32, #tpu.memory_space<hbm>>) target(%dma_start3A_61 : memref<10x64xf32, #tpu.memory_space<vmem>>) target_semaphore(%run_scoped3A_53 : memref<!tpu.dma_semaphore, #tpu.memory_space<semaphore_mem>>)
      %dma_wait3A_62 = arith.constant 400 : i32
      %dma_wait3A_63 = arith.constant 0 : i32
      %dma_wait3A_64 = tpu.memref_slice %arg7[%run_scoped3A_8, %dma_wait3A_62, %dma_wait3A_63] : memref<2x800x64xf32, #tpu.memory_space<vmem>> -> memref<1x10x64xf32, #tpu.memory_space<vmem>>
      %dma_wait3A_65 = tpu.memref_squeeze %dma_wait3A_64 : memref<1x10x64xf32, #tpu.memory_space<vmem>> -> memref<10x64xf32, #tpu.memory_space<vmem>>
      %dma_wait3A_66 = arith.constant 400 : i32
      %dma_wait3A_67 = arith.constant 0 : i32
      %dma_wait3A_68 = tpu.memref_slice %arg7[%run_scoped3A_8, %dma_wait3A_66, %dma_wait3A_67] : memref<2x800x64xf32, #tpu.memory_space<vmem>> -> memref<1x10x64xf32, #tpu.memory_space<vmem>>
      %dma_wait3A_69 = tpu.memref_squeeze %dma_wait3A_68 : memref<1x10x64xf32, #tpu.memory_space<vmem>> -> memref<10x64xf32, #tpu.memory_space<vmem>>
      tpu.wait_dma2 semaphore(%run_scoped3A_53 : memref<!tpu.dma_semaphore, #tpu.memory_space<semaphore_mem>>) src(%arg4 : memref<10x64xf32, #tpu.memory_space<hbm>>) dst(%dma_wait3A_69 : memref<10x64xf32, #tpu.memory_space<vmem>>)
      tpu.yield
    }) : () -> ()
    %run_scoped3A_9 = arith.constant 1 : i32
    "tpu.region"() ({
      %run_scoped3A_53 = tpu.sem_alloc : memref<!tpu.dma_semaphore, #tpu.memory_space<semaphore_mem>>
      %dma_start3A_54 = arith.constant 600 : i32
      %dma_start3A_55 = arith.constant 0 : i32
      %dma_start3A_56 = tpu.memref_slice %arg7[%run_scoped3A_9, %dma_start3A_54, %dma_start3A_55] : memref<2x800x64xf32, #tpu.memory_space<vmem>> -> memref<1x10x64xf32, #tpu.memory_space<vmem>>
      %dma_start3A_57 = tpu.memref_squeeze %dma_start3A_56 : memref<1x10x64xf32, #tpu.memory_space<vmem>> -> memref<10x64xf32, #tpu.memory_space<vmem>>
      %dma_start3A_58 = arith.constant 600 : i32
      %dma_start3A_59 = arith.constant 0 : i32
      %dma_start3A_60 = tpu.memref_slice %arg7[%run_scoped3A_9, %dma_start3A_58, %dma_start3A_59] : memref<2x800x64xf32, #tpu.memory_space<vmem>> -> memref<1x10x64xf32, #tpu.memory_space<vmem>>
      %dma_start3A_61 = tpu.memref_squeeze %dma_start3A_60 : memref<1x10x64xf32, #tpu.memory_space<vmem>> -> memref<10x64xf32, #tpu.memory_space<vmem>>
      tpu.enqueue_dma source(%arg4 : memref<10x64xf32, #tpu.memory_space<hbm>>) target(%dma_start3A_61 : memref<10x64xf32, #tpu.memory_space<vmem>>) target_semaphore(%run_scoped3A_53 : memref<!tpu.dma_semaphore, #tpu.memory_space<semaphore_mem>>)
      %dma_wait3A_62 = arith.constant 600 : i32
      %dma_wait3A_63 = arith.constant 0 : i32
      %dma_wait3A_64 = tpu.memref_slice %arg7[%run_scoped3A_9, %dma_wait3A_62, %dma_wait3A_63] : memref<2x800x64xf32, #tpu.memory_space<vmem>> -> memref<1x10x64xf32, #tpu.memory_space<vmem>>
      %dma_wait3A_65 = tpu.memref_squeeze %dma_wait3A_64 : memref<1x10x64xf32, #tpu.memory_space<vmem>> -> memref<10x64xf32, #tpu.memory_space<vmem>>
      %dma_wait3A_66 = arith.constant 600 : i32
      %dma_wait3A_67 = arith.constant 0 : i32
      %dma_wait3A_68 = tpu.memref_slice %arg7[%run_scoped3A_9, %dma_wait3A_66, %dma_wait3A_67] : memref<2x800x64xf32, #tpu.memory_space<vmem>> -> memref<1x10x64xf32, #tpu.memory_space<vmem>>
      %dma_wait3A_69 = tpu.memref_squeeze %dma_wait3A_68 : memref<1x10x64xf32, #tpu.memory_space<vmem>> -> memref<10x64xf32, #tpu.memory_space<vmem>>
      tpu.wait_dma2 semaphore(%run_scoped3A_53 : memref<!tpu.dma_semaphore, #tpu.memory_space<semaphore_mem>>) src(%arg4 : memref<10x64xf32, #tpu.memory_space<hbm>>) dst(%dma_wait3A_69 : memref<10x64xf32, #tpu.memory_space<vmem>>)
      tpu.yield
    }) : () -> ()
    %mul3A_10 = arith.constant 192 : i32
    %mul3A_11 = arith.muli %mul3A_2, %mul3A_10 : i32
    %dma_start3A = arith.constant 0 : i32
    %dma_start3A_12 = arith.constant 0 : i32
    %dma_start3A_13 = tpu.memref_slice %arg6[%dma_start3A, %dma_start3A_12] : memref<2x768xi32, #tpu.memory_space<vmem>> -> memref<1x768xi32, #tpu.memory_space<vmem>>
    %dma_start3A_14 = tpu.memref_squeeze %dma_start3A_13 : memref<1x768xi32, #tpu.memory_space<vmem>> -> memref<768xi32, #tpu.memory_space<vmem>>
    %dma_start3A_15 = tpu.memref_slice %arg2[%mul3A_11] : memref<786432xi32, #tpu.memory_space<hbm>> -> memref<768xi32, #tpu.memory_space<hbm>>
    %dma_start3A_16 = arith.constant 0 : i32
    %dma_start3A_17 = tpu.memref_slice %arg6[%dma_start3A, %dma_start3A_16] : memref<2x768xi32, #tpu.memory_space<vmem>> -> memref<1x768xi32, #tpu.memory_space<vmem>>
    %dma_start3A_18 = tpu.memref_squeeze %dma_start3A_17 : memref<1x768xi32, #tpu.memory_space<vmem>> -> memref<768xi32, #tpu.memory_space<vmem>>
    %dma_start3A_19 = tpu.memref_slice %arg2[%mul3A_11] : memref<786432xi32, #tpu.memory_space<hbm>> -> memref<768xi32, #tpu.memory_space<hbm>>
    tpu.enqueue_dma source(%dma_start3A_19 : memref<768xi32, #tpu.memory_space<hbm>>) target(%dma_start3A_18 : memref<768xi32, #tpu.memory_space<vmem>>) target_semaphore(%arg8 : memref<!tpu.dma_semaphore, #tpu.memory_space<semaphore_mem>>)
    %scan3A = arith.constant 0 : i32
    %scan3A_20 = arith.constant 16 : i32
    %scan3A_21 = arith.addi %scan3A, %scan3A_20 : i32
    %scan3A_22 = arith.constant 1 : i32
    scf.for %scan3A_53 = %scan3A to %scan3A_21 step %scan3A_22  : i32 {
      %mul3A_54 = arith.constant 2 : i32
      %mul3A_55 = arith.muli %scan3A_53, %mul3A_54 : i32
      %add3A_56 = arith.constant 0 : i32
      %add3A_57 = arith.addi %add3A_56, %mul3A_55 : i32
      %add3A_58 = arith.constant 0 : i32
      %add3A_59 = arith.addi %add3A_57, %add3A_58 : i32
      %add3A_60 = arith.constant 1 : i32
      %add3A_61 = arith.addi %add3A_59, %add3A_60 : i32
      %lt3A = arith.constant 32 : i32
      %lt3A_62 = arith.cmpi slt, %add3A_61, %lt3A : i32
      %convert_element_type3A = arith.extui %lt3A_62 : i1 to i32
      %cond3A = arith.constant 0 : i32
      %cond3A_63 = arith.cmpi ne, %convert_element_type3A, %cond3A : i32
      scf.if %cond3A_63 {
        %add3A_524 = arith.constant 1 : i32
        %add3A_525 = arith.addi %add3A_59, %add3A_524 : i32
        %mul3A_526 = arith.constant 4 : i32
        %mul3A_527 = arith.muli %add3A_525, %mul3A_526 : i32
        %add3A_528 = arith.addi %mul3A_2, %mul3A_527 : i32
        %mul3A_529 = arith.constant 192 : i32
        %mul3A_530 = arith.muli %add3A_528, %mul3A_529 : i32
        %dma_start3A_531 = arith.constant 1 : i32
        %dma_start3A_532 = arith.constant 0 : i32
        %dma_start3A_533 = tpu.memref_slice %arg6[%dma_start3A_531, %dma_start3A_532] : memref<2x768xi32, #tpu.memory_space<vmem>> -> memref<1x768xi32, #tpu.memory_space<vmem>>
        %dma_start3A_534 = tpu.memref_squeeze %dma_start3A_533 : memref<1x768xi32, #tpu.memory_space<vmem>> -> memref<768xi32, #tpu.memory_space<vmem>>
        %dma_start3A_535 = tpu.memref_slice %arg2[%mul3A_530] : memref<786432xi32, #tpu.memory_space<hbm>> -> memref<768xi32, #tpu.memory_space<hbm>>
        %dma_start3A_536 = arith.constant 0 : i32
        %dma_start3A_537 = tpu.memref_slice %arg6[%dma_start3A_531, %dma_start3A_536] : memref<2x768xi32, #tpu.memory_space<vmem>> -> memref<1x768xi32, #tpu.memory_space<vmem>>
        %dma_start3A_538 = tpu.memref_squeeze %dma_start3A_537 : memref<1x768xi32, #tpu.memory_space<vmem>> -> memref<768xi32, #tpu.memory_space<vmem>>
        %dma_start3A_539 = tpu.memref_slice %arg2[%mul3A_530] : memref<786432xi32, #tpu.memory_space<hbm>> -> memref<768xi32, #tpu.memory_space<hbm>>
        tpu.enqueue_dma source(%dma_start3A_539 : memref<768xi32, #tpu.memory_space<hbm>>) target(%dma_start3A_538 : memref<768xi32, #tpu.memory_space<vmem>>) target_semaphore(%arg9 : memref<!tpu.dma_semaphore, #tpu.memory_space<semaphore_mem>>)
      } else {
      }
      %dma_wait3A_64 = arith.constant 0 : i32
      %dma_wait3A_65 = arith.constant 0 : i32
      %dma_wait3A_66 = tpu.memref_slice %arg6[%dma_wait3A_64, %dma_wait3A_65] : memref<2x768xi32, #tpu.memory_space<vmem>> -> memref<1x768xi32, #tpu.memory_space<vmem>>
      %dma_wait3A_67 = tpu.memref_squeeze %dma_wait3A_66 : memref<1x768xi32, #tpu.memory_space<vmem>> -> memref<768xi32, #tpu.memory_space<vmem>>
      %dma_wait3A_68 = arith.constant 0 : i32
      %dma_wait3A_69 = tpu.memref_slice %arg2[%dma_wait3A_68] : memref<786432xi32, #tpu.memory_space<hbm>> -> memref<768xi32, #tpu.memory_space<hbm>>
      %dma_wait3A_70 = arith.constant 0 : i32
      %dma_wait3A_71 = tpu.memref_slice %arg6[%dma_wait3A_64, %dma_wait3A_70] : memref<2x768xi32, #tpu.memory_space<vmem>> -> memref<1x768xi32, #tpu.memory_space<vmem>>
      %dma_wait3A_72 = tpu.memref_squeeze %dma_wait3A_71 : memref<1x768xi32, #tpu.memory_space<vmem>> -> memref<768xi32, #tpu.memory_space<vmem>>
      %dma_wait3A_73 = arith.constant 0 : i32
      %dma_wait3A_74 = tpu.memref_slice %arg2[%dma_wait3A_73] : memref<786432xi32, #tpu.memory_space<hbm>> -> memref<768xi32, #tpu.memory_space<hbm>>
      tpu.wait_dma2 semaphore(%arg8 : memref<!tpu.dma_semaphore, #tpu.memory_space<semaphore_mem>>) src(%dma_wait3A_74 : memref<768xi32, #tpu.memory_space<hbm>>) dst(%dma_wait3A_72 : memref<768xi32, #tpu.memory_space<vmem>>)
      %ge3A = arith.constant 2 : i32
      %ge3A_75 = arith.cmpi sge, %add3A_59, %ge3A : i32
      %convert_element_type3A_76 = arith.extui %ge3A_75 : i1 to i32
      %cond3A_77 = arith.constant 0 : i32
      %cond3A_78 = arith.cmpi ne, %convert_element_type3A_76, %cond3A_77 : i32
      scf.if %cond3A_78 {
        %dma_wait3A_524 = arith.constant 0 : i32
        %dma_wait3A_525 = arith.constant 0 : i32
        %dma_wait3A_526 = arith.constant 0 : i32
        %dma_wait3A_527 = tpu.memref_slice %arg7[%dma_wait3A_524, %dma_wait3A_525, %dma_wait3A_526] : memref<2x800x64xf32, #tpu.memory_space<vmem>> -> memref<1x800x64xf32, #tpu.memory_space<vmem>>
        %dma_wait3A_528 = tpu.memref_squeeze %dma_wait3A_527 : memref<1x800x64xf32, #tpu.memory_space<vmem>> -> memref<800x64xf32, #tpu.memory_space<vmem>>
        %dma_wait3A_529 = arith.constant 0 : i32
        %dma_wait3A_530 = arith.constant 0 : i32
        %dma_wait3A_531 = tpu.memref_slice %arg5[%dma_wait3A_529, %dma_wait3A_530] : memref<819200x64xf32, #tpu.memory_space<hbm>> -> memref<800x64xf32, #tpu.memory_space<hbm>>
        %dma_wait3A_532 = arith.constant 0 : i32
        %dma_wait3A_533 = arith.constant 0 : i32
        %dma_wait3A_534 = tpu.memref_slice %arg5[%dma_wait3A_532, %dma_wait3A_533] : memref<819200x64xf32, #tpu.memory_space<hbm>> -> memref<800x64xf32, #tpu.memory_space<hbm>>
        %dma_wait3A_535 = arith.constant 0 : i32
        %dma_wait3A_536 = arith.constant 0 : i32
        %dma_wait3A_537 = tpu.memref_slice %arg7[%dma_wait3A_524, %dma_wait3A_535, %dma_wait3A_536] : memref<2x800x64xf32, #tpu.memory_space<vmem>> -> memref<1x800x64xf32, #tpu.memory_space<vmem>>
        %dma_wait3A_538 = tpu.memref_squeeze %dma_wait3A_537 : memref<1x800x64xf32, #tpu.memory_space<vmem>> -> memref<800x64xf32, #tpu.memory_space<vmem>>
        tpu.wait_dma2 semaphore(%arg12 : memref<!tpu.dma_semaphore, #tpu.memory_space<semaphore_mem>>) src(%dma_wait3A_538 : memref<800x64xf32, #tpu.memory_space<vmem>>) dst(%dma_wait3A_534 : memref<800x64xf32, #tpu.memory_space<hbm>>)
      } else {
      }
      %dma_start3A_79 = arith.constant 0 : i32
      %dma_start3A_80 = arith.constant 0 : i32
      %dma_start3A_81 = arith.constant 10 : i32
      %dma_start3A_82 = arith.constant 0 : i32
      %dma_start3A_83 = tpu.memref_slice %arg7[%dma_start3A_80, %dma_start3A_81, %dma_start3A_82] : memref<2x800x64xf32, #tpu.memory_space<vmem>> -> memref<1x96x64xf32, #tpu.memory_space<vmem>>
      %dma_start3A_84 = tpu.memref_squeeze %dma_start3A_83 : memref<1x96x64xf32, #tpu.memory_space<vmem>> -> memref<96x64xf32, #tpu.memory_space<vmem>>
      %dma_start3A_85 = arith.constant 0 : i32
      %dma_start3A_86 = tpu.memref_slice %arg6[%dma_start3A_79, %dma_start3A_85] : memref<2x768xi32, #tpu.memory_space<vmem>> -> memref<1x96xi32, #tpu.memory_space<vmem>>
      %dma_start3A_87 = tpu.memref_squeeze %dma_start3A_86 : memref<1x96xi32, #tpu.memory_space<vmem>> -> memref<96xi32, #tpu.memory_space<vmem>>
      %dma_start3A_88 = arith.constant 0 : i32
      %dma_start3A_89 = arith.constant 0 : i32
      %dma_start3A_90 = tpu.memref_slice %arg3[%dma_start3A_88, %dma_start3A_89] : memref<1000000x64xf32, #tpu.memory_space<hbm>> -> memref<1000000x64xf32, #tpu.memory_space<hbm>>
      tpu.enqueue_indirect_dma source(%dma_start3A_90 : memref<1000000x64xf32, #tpu.memory_space<hbm>>) target(%dma_start3A_84 : memref<96x64xf32, #tpu.memory_space<vmem>>) offsets(%dma_start3A_87 : memref<96xi32, #tpu.memory_space<vmem>>) semaphore(%arg10 : memref<!tpu.dma_semaphore, #tpu.memory_space<semaphore_mem>>)
      %dma_start3A_91 = arith.constant 0 : i32
      %dma_start3A_92 = arith.constant 0 : i32
      %dma_start3A_93 = arith.constant 104 : i32
      %dma_start3A_94 = arith.constant 0 : i32
      %dma_start3A_95 = tpu.memref_slice %arg7[%dma_start3A_92, %dma_start3A_93, %dma_start3A_94] : memref<2x800x64xf32, #tpu.memory_space<vmem>> -> memref<1x96x64xf32, #tpu.memory_space<vmem>>
      %dma_start3A_96 = tpu.memref_squeeze %dma_start3A_95 : memref<1x96x64xf32, #tpu.memory_space<vmem>> -> memref<96x64xf32, #tpu.memory_space<vmem>>
      %dma_start3A_97 = arith.constant 96 : i32
      %dma_start3A_98 = tpu.memref_slice %arg6[%dma_start3A_91, %dma_start3A_97] : memref<2x768xi32, #tpu.memory_space<vmem>> -> memref<1x96xi32, #tpu.memory_space<vmem>>
      %dma_start3A_99 = tpu.memref_squeeze %dma_start3A_98 : memref<1x96xi32, #tpu.memory_space<vmem>> -> memref<96xi32, #tpu.memory_space<vmem>>
      %dma_start3A_100 = arith.constant 0 : i32
      %dma_start3A_101 = arith.constant 0 : i32
      %dma_start3A_102 = tpu.memref_slice %arg3[%dma_start3A_100, %dma_start3A_101] : memref<1000000x64xf32, #tpu.memory_space<hbm>> -> memref<1000000x64xf32, #tpu.memory_space<hbm>>
      tpu.enqueue_indirect_dma source(%dma_start3A_102 : memref<1000000x64xf32, #tpu.memory_space<hbm>>) target(%dma_start3A_96 : memref<96x64xf32, #tpu.memory_space<vmem>>) offsets(%dma_start3A_99 : memref<96xi32, #tpu.memory_space<vmem>>) semaphore(%arg10 : memref<!tpu.dma_semaphore, #tpu.memory_space<semaphore_mem>>)
      %dma_start3A_103 = arith.constant 0 : i32
      %dma_start3A_104 = arith.constant 0 : i32
      %dma_start3A_105 = arith.constant 210 : i32
      %dma_start3A_106 = arith.constant 0 : i32
      %dma_start3A_107 = tpu.memref_slice %arg7[%dma_start3A_104, %dma_start3A_105, %dma_start3A_106] : memref<2x800x64xf32, #tpu.memory_space<vmem>> -> memref<1x96x64xf32, #tpu.memory_space<vmem>>
      %dma_start3A_108 = tpu.memref_squeeze %dma_start3A_107 : memref<1x96x64xf32, #tpu.memory_space<vmem>> -> memref<96x64xf32, #tpu.memory_space<vmem>>
      %dma_start3A_109 = arith.constant 192 : i32
      %dma_start3A_110 = tpu.memref_slice %arg6[%dma_start3A_103, %dma_start3A_109] : memref<2x768xi32, #tpu.memory_space<vmem>> -> memref<1x96xi32, #tpu.memory_space<vmem>>
      %dma_start3A_111 = tpu.memref_squeeze %dma_start3A_110 : memref<1x96xi32, #tpu.memory_space<vmem>> -> memref<96xi32, #tpu.memory_space<vmem>>
      %dma_start3A_112 = arith.constant 0 : i32
      %dma_start3A_113 = arith.constant 0 : i32
      %dma_start3A_114 = tpu.memref_slice %arg3[%dma_start3A_112, %dma_start3A_113] : memref<1000000x64xf32, #tpu.memory_space<hbm>> -> memref<1000000x64xf32, #tpu.memory_space<hbm>>
      tpu.enqueue_indirect_dma source(%dma_start3A_114 : memref<1000000x64xf32, #tpu.memory_space<hbm>>) target(%dma_start3A_108 : memref<96x64xf32, #tpu.memory_space<vmem>>) offsets(%dma_start3A_111 : memref<96xi32, #tpu.memory_space<vmem>>) semaphore(%arg10 : memref<!tpu.dma_semaphore, #tpu.memory_space<semaphore_mem>>)
      %dma_start3A_115 = arith.constant 0 : i32
      %dma_start3A_116 = arith.constant 0 : i32
      %dma_start3A_117 = arith.constant 304 : i32
      %dma_start3A_118 = arith.constant 0 : i32
      %dma_start3A_119 = tpu.memref_slice %arg7[%dma_start3A_116, %dma_start3A_117, %dma_start3A_118] : memref<2x800x64xf32, #tpu.memory_space<vmem>> -> memref<1x96x64xf32, #tpu.memory_space<vmem>>
      %dma_start3A_120 = tpu.memref_squeeze %dma_start3A_119 : memref<1x96x64xf32, #tpu.memory_space<vmem>> -> memref<96x64xf32, #tpu.memory_space<vmem>>
      %dma_start3A_121 = arith.constant 288 : i32
      %dma_start3A_122 = tpu.memref_slice %arg6[%dma_start3A_115, %dma_start3A_121] : memref<2x768xi32, #tpu.memory_space<vmem>> -> memref<1x96xi32, #tpu.memory_space<vmem>>
      %dma_start3A_123 = tpu.memref_squeeze %dma_start3A_122 : memref<1x96xi32, #tpu.memory_space<vmem>> -> memref<96xi32, #tpu.memory_space<vmem>>
      %dma_start3A_124 = arith.constant 0 : i32
      %dma_start3A_125 = arith.constant 0 : i32
      %dma_start3A_126 = tpu.memref_slice %arg3[%dma_start3A_124, %dma_start3A_125] : memref<1000000x64xf32, #tpu.memory_space<hbm>> -> memref<1000000x64xf32, #tpu.memory_space<hbm>>
      tpu.enqueue_indirect_dma source(%dma_start3A_126 : memref<1000000x64xf32, #tpu.memory_space<hbm>>) target(%dma_start3A_120 : memref<96x64xf32, #tpu.memory_space<vmem>>) offsets(%dma_start3A_123 : memref<96xi32, #tpu.memory_space<vmem>>) semaphore(%arg10 : memref<!tpu.dma_semaphore, #tpu.memory_space<semaphore_mem>>)
      %dma_start3A_127 = arith.constant 0 : i32
      %dma_start3A_128 = arith.constant 0 : i32
      %dma_start3A_129 = arith.constant 410 : i32
      %dma_start3A_130 = arith.constant 0 : i32
      %dma_start3A_131 = tpu.memref_slice %arg7[%dma_start3A_128, %dma_start3A_129, %dma_start3A_130] : memref<2x800x64xf32, #tpu.memory_space<vmem>> -> memref<1x96x64xf32, #tpu.memory_space<vmem>>
      %dma_start3A_132 = tpu.memref_squeeze %dma_start3A_131 : memref<1x96x64xf32, #tpu.memory_space<vmem>> -> memref<96x64xf32, #tpu.memory_space<vmem>>
      %dma_start3A_133 = arith.constant 384 : i32
      %dma_start3A_134 = tpu.memref_slice %arg6[%dma_start3A_127, %dma_start3A_133] : memref<2x768xi32, #tpu.memory_space<vmem>> -> memref<1x96xi32, #tpu.memory_space<vmem>>
      %dma_start3A_135 = tpu.memref_squeeze %dma_start3A_134 : memref<1x96xi32, #tpu.memory_space<vmem>> -> memref<96xi32, #tpu.memory_space<vmem>>
      %dma_start3A_136 = arith.constant 0 : i32
      %dma_start3A_137 = arith.constant 0 : i32
      %dma_start3A_138 = tpu.memref_slice %arg3[%dma_start3A_136, %dma_start3A_137] : memref<1000000x64xf32, #tpu.memory_space<hbm>> -> memref<1000000x64xf32, #tpu.memory_space<hbm>>
      tpu.enqueue_indirect_dma source(%dma_start3A_138 : memref<1000000x64xf32, #tpu.memory_space<hbm>>) target(%dma_start3A_132 : memref<96x64xf32, #tpu.memory_space<vmem>>) offsets(%dma_start3A_135 : memref<96xi32, #tpu.memory_space<vmem>>) semaphore(%arg10 : memref<!tpu.dma_semaphore, #tpu.memory_space<semaphore_mem>>)
      %dma_start3A_139 = arith.constant 0 : i32
      %dma_start3A_140 = arith.constant 0 : i32
      %dma_start3A_141 = arith.constant 504 : i32
      %dma_start3A_142 = arith.constant 0 : i32
      %dma_start3A_143 = tpu.memref_slice %arg7[%dma_start3A_140, %dma_start3A_141, %dma_start3A_142] : memref<2x800x64xf32, #tpu.memory_space<vmem>> -> memref<1x96x64xf32, #tpu.memory_space<vmem>>
      %dma_start3A_144 = tpu.memref_squeeze %dma_start3A_143 : memref<1x96x64xf32, #tpu.memory_space<vmem>> -> memref<96x64xf32, #tpu.memory_space<vmem>>
      %dma_start3A_145 = arith.constant 480 : i32
      %dma_start3A_146 = tpu.memref_slice %arg6[%dma_start3A_139, %dma_start3A_145] : memref<2x768xi32, #tpu.memory_space<vmem>> -> memref<1x96xi32, #tpu.memory_space<vmem>>
      %dma_start3A_147 = tpu.memref_squeeze %dma_start3A_146 : memref<1x96xi32, #tpu.memory_space<vmem>> -> memref<96xi32, #tpu.memory_space<vmem>>
      %dma_start3A_148 = arith.constant 0 : i32
      %dma_start3A_149 = arith.constant 0 : i32
      %dma_start3A_150 = tpu.memref_slice %arg3[%dma_start3A_148, %dma_start3A_149] : memref<1000000x64xf32, #tpu.memory_space<hbm>> -> memref<1000000x64xf32, #tpu.memory_space<hbm>>
      tpu.enqueue_indirect_dma source(%dma_start3A_150 : memref<1000000x64xf32, #tpu.memory_space<hbm>>) target(%dma_start3A_144 : memref<96x64xf32, #tpu.memory_space<vmem>>) offsets(%dma_start3A_147 : memref<96xi32, #tpu.memory_space<vmem>>) semaphore(%arg10 : memref<!tpu.dma_semaphore, #tpu.memory_space<semaphore_mem>>)
      %dma_start3A_151 = arith.constant 0 : i32
      %dma_start3A_152 = arith.constant 0 : i32
      %dma_start3A_153 = arith.constant 610 : i32
      %dma_start3A_154 = arith.constant 0 : i32
      %dma_start3A_155 = tpu.memref_slice %arg7[%dma_start3A_152, %dma_start3A_153, %dma_start3A_154] : memref<2x800x64xf32, #tpu.memory_space<vmem>> -> memref<1x96x64xf32, #tpu.memory_space<vmem>>
      %dma_start3A_156 = tpu.memref_squeeze %dma_start3A_155 : memref<1x96x64xf32, #tpu.memory_space<vmem>> -> memref<96x64xf32, #tpu.memory_space<vmem>>
      %dma_start3A_157 = arith.constant 576 : i32
      %dma_start3A_158 = tpu.memref_slice %arg6[%dma_start3A_151, %dma_start3A_157] : memref<2x768xi32, #tpu.memory_space<vmem>> -> memref<1x96xi32, #tpu.memory_space<vmem>>
      %dma_start3A_159 = tpu.memref_squeeze %dma_start3A_158 : memref<1x96xi32, #tpu.memory_space<vmem>> -> memref<96xi32, #tpu.memory_space<vmem>>
      %dma_start3A_160 = arith.constant 0 : i32
      %dma_start3A_161 = arith.constant 0 : i32
      %dma_start3A_162 = tpu.memref_slice %arg3[%dma_start3A_160, %dma_start3A_161] : memref<1000000x64xf32, #tpu.memory_space<hbm>> -> memref<1000000x64xf32, #tpu.memory_space<hbm>>
      tpu.enqueue_indirect_dma source(%dma_start3A_162 : memref<1000000x64xf32, #tpu.memory_space<hbm>>) target(%dma_start3A_156 : memref<96x64xf32, #tpu.memory_space<vmem>>) offsets(%dma_start3A_159 : memref<96xi32, #tpu.memory_space<vmem>>) semaphore(%arg10 : memref<!tpu.dma_semaphore, #tpu.memory_space<semaphore_mem>>)
      %dma_start3A_163 = arith.constant 0 : i32
      %dma_start3A_164 = arith.constant 0 : i32
      %dma_start3A_165 = arith.constant 704 : i32
      %dma_start3A_166 = arith.constant 0 : i32
      %dma_start3A_167 = tpu.memref_slice %arg7[%dma_start3A_164, %dma_start3A_165, %dma_start3A_166] : memref<2x800x64xf32, #tpu.memory_space<vmem>> -> memref<1x96x64xf32, #tpu.memory_space<vmem>>
      %dma_start3A_168 = tpu.memref_squeeze %dma_start3A_167 : memref<1x96x64xf32, #tpu.memory_space<vmem>> -> memref<96x64xf32, #tpu.memory_space<vmem>>
      %dma_start3A_169 = arith.constant 672 : i32
      %dma_start3A_170 = tpu.memref_slice %arg6[%dma_start3A_163, %dma_start3A_169] : memref<2x768xi32, #tpu.memory_space<vmem>> -> memref<1x96xi32, #tpu.memory_space<vmem>>
      %dma_start3A_171 = tpu.memref_squeeze %dma_start3A_170 : memref<1x96xi32, #tpu.memory_space<vmem>> -> memref<96xi32, #tpu.memory_space<vmem>>
      %dma_start3A_172 = arith.constant 0 : i32
      %dma_start3A_173 = arith.constant 0 : i32
      %dma_start3A_174 = tpu.memref_slice %arg3[%dma_start3A_172, %dma_start3A_173] : memref<1000000x64xf32, #tpu.memory_space<hbm>> -> memref<1000000x64xf32, #tpu.memory_space<hbm>>
      tpu.enqueue_indirect_dma source(%dma_start3A_174 : memref<1000000x64xf32, #tpu.memory_space<hbm>>) target(%dma_start3A_168 : memref<96x64xf32, #tpu.memory_space<vmem>>) offsets(%dma_start3A_171 : memref<96xi32, #tpu.memory_space<vmem>>) semaphore(%arg10 : memref<!tpu.dma_semaphore, #tpu.memory_space<semaphore_mem>>)
      %dma_wait3A_175 = arith.constant 0 : i32
      %dma_wait3A_176 = arith.constant 0 : i32
      %dma_wait3A_177 = arith.constant 10 : i32
      %dma_wait3A_178 = arith.constant 0 : i32
      %dma_wait3A_179 = tpu.memref_slice %arg7[%dma_wait3A_176, %dma_wait3A_177, %dma_wait3A_178] : memref<2x800x64xf32, #tpu.memory_space<vmem>> -> memref<1x96x64xf32, #tpu.memory_space<vmem>>
      %dma_wait3A_180 = tpu.memref_squeeze %dma_wait3A_179 : memref<1x96x64xf32, #tpu.memory_space<vmem>> -> memref<96x64xf32, #tpu.memory_space<vmem>>
      %dma_wait3A_181 = arith.constant 0 : i32
      %dma_wait3A_182 = tpu.memref_slice %arg6[%dma_wait3A_175, %dma_wait3A_181] : memref<2x768xi32, #tpu.memory_space<vmem>> -> memref<1x96xi32, #tpu.memory_space<vmem>>
      %dma_wait3A_183 = tpu.memref_squeeze %dma_wait3A_182 : memref<1x96xi32, #tpu.memory_space<vmem>> -> memref<96xi32, #tpu.memory_space<vmem>>
      %dma_wait3A_184 = arith.constant 0 : i32
      %dma_wait3A_185 = arith.constant 0 : i32
      %dma_wait3A_186 = tpu.memref_slice %arg3[%dma_wait3A_184, %dma_wait3A_185] : memref<1000000x64xf32, #tpu.memory_space<hbm>> -> memref<1000000x64xf32, #tpu.memory_space<hbm>>
      tpu.wait_indirect_dma semaphore(%arg10 : memref<!tpu.dma_semaphore, #tpu.memory_space<semaphore_mem>>) src(%dma_wait3A_186 : memref<1000000x64xf32, #tpu.memory_space<hbm>>) dst(%dma_wait3A_180 : memref<96x64xf32, #tpu.memory_space<vmem>>)
      %dma_wait3A_187 = arith.constant 0 : i32
      %dma_wait3A_188 = arith.constant 0 : i32
      %dma_wait3A_189 = arith.constant 104 : i32
      %dma_wait3A_190 = arith.constant 0 : i32
      %dma_wait3A_191 = tpu.memref_slice %arg7[%dma_wait3A_188, %dma_wait3A_189, %dma_wait3A_190] : memref<2x800x64xf32, #tpu.memory_space<vmem>> -> memref<1x96x64xf32, #tpu.memory_space<vmem>>
      %dma_wait3A_192 = tpu.memref_squeeze %dma_wait3A_191 : memref<1x96x64xf32, #tpu.memory_space<vmem>> -> memref<96x64xf32, #tpu.memory_space<vmem>>
      %dma_wait3A_193 = arith.constant 96 : i32
      %dma_wait3A_194 = tpu.memref_slice %arg6[%dma_wait3A_187, %dma_wait3A_193] : memref<2x768xi32, #tpu.memory_space<vmem>> -> memref<1x96xi32, #tpu.memory_space<vmem>>
      %dma_wait3A_195 = tpu.memref_squeeze %dma_wait3A_194 : memref<1x96xi32, #tpu.memory_space<vmem>> -> memref<96xi32, #tpu.memory_space<vmem>>
      %dma_wait3A_196 = arith.constant 0 : i32
      %dma_wait3A_197 = arith.constant 0 : i32
      %dma_wait3A_198 = tpu.memref_slice %arg3[%dma_wait3A_196, %dma_wait3A_197] : memref<1000000x64xf32, #tpu.memory_space<hbm>> -> memref<1000000x64xf32, #tpu.memory_space<hbm>>
      tpu.wait_indirect_dma semaphore(%arg10 : memref<!tpu.dma_semaphore, #tpu.memory_space<semaphore_mem>>) src(%dma_wait3A_198 : memref<1000000x64xf32, #tpu.memory_space<hbm>>) dst(%dma_wait3A_192 : memref<96x64xf32, #tpu.memory_space<vmem>>)
      %dma_wait3A_199 = arith.constant 0 : i32
      %dma_wait3A_200 = arith.constant 0 : i32
      %dma_wait3A_201 = arith.constant 210 : i32
      %dma_wait3A_202 = arith.constant 0 : i32
      %dma_wait3A_203 = tpu.memref_slice %arg7[%dma_wait3A_200, %dma_wait3A_201, %dma_wait3A_202] : memref<2x800x64xf32, #tpu.memory_space<vmem>> -> memref<1x96x64xf32, #tpu.memory_space<vmem>>
      %dma_wait3A_204 = tpu.memref_squeeze %dma_wait3A_203 : memref<1x96x64xf32, #tpu.memory_space<vmem>> -> memref<96x64xf32, #tpu.memory_space<vmem>>
      %dma_wait3A_205 = arith.constant 192 : i32
      %dma_wait3A_206 = tpu.memref_slice %arg6[%dma_wait3A_199, %dma_wait3A_205] : memref<2x768xi32, #tpu.memory_space<vmem>> -> memref<1x96xi32, #tpu.memory_space<vmem>>
      %dma_wait3A_207 = tpu.memref_squeeze %dma_wait3A_206 : memref<1x96xi32, #tpu.memory_space<vmem>> -> memref<96xi32, #tpu.memory_space<vmem>>
      %dma_wait3A_208 = arith.constant 0 : i32
      %dma_wait3A_209 = arith.constant 0 : i32
      %dma_wait3A_210 = tpu.memref_slice %arg3[%dma_wait3A_208, %dma_wait3A_209] : memref<1000000x64xf32, #tpu.memory_space<hbm>> -> memref<1000000x64xf32, #tpu.memory_space<hbm>>
      tpu.wait_indirect_dma semaphore(%arg10 : memref<!tpu.dma_semaphore, #tpu.memory_space<semaphore_mem>>) src(%dma_wait3A_210 : memref<1000000x64xf32, #tpu.memory_space<hbm>>) dst(%dma_wait3A_204 : memref<96x64xf32, #tpu.memory_space<vmem>>)
      %dma_wait3A_211 = arith.constant 0 : i32
      %dma_wait3A_212 = arith.constant 0 : i32
      %dma_wait3A_213 = arith.constant 304 : i32
      %dma_wait3A_214 = arith.constant 0 : i32
      %dma_wait3A_215 = tpu.memref_slice %arg7[%dma_wait3A_212, %dma_wait3A_213, %dma_wait3A_214] : memref<2x800x64xf32, #tpu.memory_space<vmem>> -> memref<1x96x64xf32, #tpu.memory_space<vmem>>
      %dma_wait3A_216 = tpu.memref_squeeze %dma_wait3A_215 : memref<1x96x64xf32, #tpu.memory_space<vmem>> -> memref<96x64xf32, #tpu.memory_space<vmem>>
      %dma_wait3A_217 = arith.constant 288 : i32
      %dma_wait3A_218 = tpu.memref_slice %arg6[%dma_wait3A_211, %dma_wait3A_217] : memref<2x768xi32, #tpu.memory_space<vmem>> -> memref<1x96xi32, #tpu.memory_space<vmem>>
      %dma_wait3A_219 = tpu.memref_squeeze %dma_wait3A_218 : memref<1x96xi32, #tpu.memory_space<vmem>> -> memref<96xi32, #tpu.memory_space<vmem>>
      %dma_wait3A_220 = arith.constant 0 : i32
      %dma_wait3A_221 = arith.constant 0 : i32
      %dma_wait3A_222 = tpu.memref_slice %arg3[%dma_wait3A_220, %dma_wait3A_221] : memref<1000000x64xf32, #tpu.memory_space<hbm>> -> memref<1000000x64xf32, #tpu.memory_space<hbm>>
      tpu.wait_indirect_dma semaphore(%arg10 : memref<!tpu.dma_semaphore, #tpu.memory_space<semaphore_mem>>) src(%dma_wait3A_222 : memref<1000000x64xf32, #tpu.memory_space<hbm>>) dst(%dma_wait3A_216 : memref<96x64xf32, #tpu.memory_space<vmem>>)
      %dma_wait3A_223 = arith.constant 0 : i32
      %dma_wait3A_224 = arith.constant 0 : i32
      %dma_wait3A_225 = arith.constant 410 : i32
      %dma_wait3A_226 = arith.constant 0 : i32
      %dma_wait3A_227 = tpu.memref_slice %arg7[%dma_wait3A_224, %dma_wait3A_225, %dma_wait3A_226] : memref<2x800x64xf32, #tpu.memory_space<vmem>> -> memref<1x96x64xf32, #tpu.memory_space<vmem>>
      %dma_wait3A_228 = tpu.memref_squeeze %dma_wait3A_227 : memref<1x96x64xf32, #tpu.memory_space<vmem>> -> memref<96x64xf32, #tpu.memory_space<vmem>>
      %dma_wait3A_229 = arith.constant 384 : i32
      %dma_wait3A_230 = tpu.memref_slice %arg6[%dma_wait3A_223, %dma_wait3A_229] : memref<2x768xi32, #tpu.memory_space<vmem>> -> memref<1x96xi32, #tpu.memory_space<vmem>>
      %dma_wait3A_231 = tpu.memref_squeeze %dma_wait3A_230 : memref<1x96xi32, #tpu.memory_space<vmem>> -> memref<96xi32, #tpu.memory_space<vmem>>
      %dma_wait3A_232 = arith.constant 0 : i32
      %dma_wait3A_233 = arith.constant 0 : i32
      %dma_wait3A_234 = tpu.memref_slice %arg3[%dma_wait3A_232, %dma_wait3A_233] : memref<1000000x64xf32, #tpu.memory_space<hbm>> -> memref<1000000x64xf32, #tpu.memory_space<hbm>>
      tpu.wait_indirect_dma semaphore(%arg10 : memref<!tpu.dma_semaphore, #tpu.memory_space<semaphore_mem>>) src(%dma_wait3A_234 : memref<1000000x64xf32, #tpu.memory_space<hbm>>) dst(%dma_wait3A_228 : memref<96x64xf32, #tpu.memory_space<vmem>>)
      %dma_wait3A_235 = arith.constant 0 : i32
      %dma_wait3A_236 = arith.constant 0 : i32
      %dma_wait3A_237 = arith.constant 504 : i32
      %dma_wait3A_238 = arith.constant 0 : i32
      %dma_wait3A_239 = tpu.memref_slice %arg7[%dma_wait3A_236, %dma_wait3A_237, %dma_wait3A_238] : memref<2x800x64xf32, #tpu.memory_space<vmem>> -> memref<1x96x64xf32, #tpu.memory_space<vmem>>
      %dma_wait3A_240 = tpu.memref_squeeze %dma_wait3A_239 : memref<1x96x64xf32, #tpu.memory_space<vmem>> -> memref<96x64xf32, #tpu.memory_space<vmem>>
      %dma_wait3A_241 = arith.constant 480 : i32
      %dma_wait3A_242 = tpu.memref_slice %arg6[%dma_wait3A_235, %dma_wait3A_241] : memref<2x768xi32, #tpu.memory_space<vmem>> -> memref<1x96xi32, #tpu.memory_space<vmem>>
      %dma_wait3A_243 = tpu.memref_squeeze %dma_wait3A_242 : memref<1x96xi32, #tpu.memory_space<vmem>> -> memref<96xi32, #tpu.memory_space<vmem>>
      %dma_wait3A_244 = arith.constant 0 : i32
      %dma_wait3A_245 = arith.constant 0 : i32
      %dma_wait3A_246 = tpu.memref_slice %arg3[%dma_wait3A_244, %dma_wait3A_245] : memref<1000000x64xf32, #tpu.memory_space<hbm>> -> memref<1000000x64xf32, #tpu.memory_space<hbm>>
      tpu.wait_indirect_dma semaphore(%arg10 : memref<!tpu.dma_semaphore, #tpu.memory_space<semaphore_mem>>) src(%dma_wait3A_246 : memref<1000000x64xf32, #tpu.memory_space<hbm>>) dst(%dma_wait3A_240 : memref<96x64xf32, #tpu.memory_space<vmem>>)
      %dma_wait3A_247 = arith.constant 0 : i32
      %dma_wait3A_248 = arith.constant 0 : i32
      %dma_wait3A_249 = arith.constant 610 : i32
      %dma_wait3A_250 = arith.constant 0 : i32
      %dma_wait3A_251 = tpu.memref_slice %arg7[%dma_wait3A_248, %dma_wait3A_249, %dma_wait3A_250] : memref<2x800x64xf32, #tpu.memory_space<vmem>> -> memref<1x96x64xf32, #tpu.memory_space<vmem>>
      %dma_wait3A_252 = tpu.memref_squeeze %dma_wait3A_251 : memref<1x96x64xf32, #tpu.memory_space<vmem>> -> memref<96x64xf32, #tpu.memory_space<vmem>>
      %dma_wait3A_253 = arith.constant 576 : i32
      %dma_wait3A_254 = tpu.memref_slice %arg6[%dma_wait3A_247, %dma_wait3A_253] : memref<2x768xi32, #tpu.memory_space<vmem>> -> memref<1x96xi32, #tpu.memory_space<vmem>>
      %dma_wait3A_255 = tpu.memref_squeeze %dma_wait3A_254 : memref<1x96xi32, #tpu.memory_space<vmem>> -> memref<96xi32, #tpu.memory_space<vmem>>
      %dma_wait3A_256 = arith.constant 0 : i32
      %dma_wait3A_257 = arith.constant 0 : i32
      %dma_wait3A_258 = tpu.memref_slice %arg3[%dma_wait3A_256, %dma_wait3A_257] : memref<1000000x64xf32, #tpu.memory_space<hbm>> -> memref<1000000x64xf32, #tpu.memory_space<hbm>>
      tpu.wait_indirect_dma semaphore(%arg10 : memref<!tpu.dma_semaphore, #tpu.memory_space<semaphore_mem>>) src(%dma_wait3A_258 : memref<1000000x64xf32, #tpu.memory_space<hbm>>) dst(%dma_wait3A_252 : memref<96x64xf32, #tpu.memory_space<vmem>>)
      %dma_wait3A_259 = arith.constant 0 : i32
      %dma_wait3A_260 = arith.constant 0 : i32
      %dma_wait3A_261 = arith.constant 704 : i32
      %dma_wait3A_262 = arith.constant 0 : i32
      %dma_wait3A_263 = tpu.memref_slice %arg7[%dma_wait3A_260, %dma_wait3A_261, %dma_wait3A_262] : memref<2x800x64xf32, #tpu.memory_space<vmem>> -> memref<1x96x64xf32, #tpu.memory_space<vmem>>
      %dma_wait3A_264 = tpu.memref_squeeze %dma_wait3A_263 : memref<1x96x64xf32, #tpu.memory_space<vmem>> -> memref<96x64xf32, #tpu.memory_space<vmem>>
      %dma_wait3A_265 = arith.constant 672 : i32
      %dma_wait3A_266 = tpu.memref_slice %arg6[%dma_wait3A_259, %dma_wait3A_265] : memref<2x768xi32, #tpu.memory_space<vmem>> -> memref<1x96xi32, #tpu.memory_space<vmem>>
      %dma_wait3A_267 = tpu.memref_squeeze %dma_wait3A_266 : memref<1x96xi32, #tpu.memory_space<vmem>> -> memref<96xi32, #tpu.memory_space<vmem>>
      %dma_wait3A_268 = arith.constant 0 : i32
      %dma_wait3A_269 = arith.constant 0 : i32
      %dma_wait3A_270 = tpu.memref_slice %arg3[%dma_wait3A_268, %dma_wait3A_269] : memref<1000000x64xf32, #tpu.memory_space<hbm>> -> memref<1000000x64xf32, #tpu.memory_space<hbm>>
      tpu.wait_indirect_dma semaphore(%arg10 : memref<!tpu.dma_semaphore, #tpu.memory_space<semaphore_mem>>) src(%dma_wait3A_270 : memref<1000000x64xf32, #tpu.memory_space<hbm>>) dst(%dma_wait3A_264 : memref<96x64xf32, #tpu.memory_space<vmem>>)
      %mul3A_271 = arith.constant 4 : i32
      %mul3A_272 = arith.muli %add3A_59, %mul3A_271 : i32
      %add3A_273 = arith.addi %mul3A_2, %mul3A_272 : i32
      %mul3A_274 = arith.constant 200 : i32
      %mul3A_275 = arith.muli %add3A_273, %mul3A_274 : i32
      %dma_start3A_276 = arith.constant 0 : i32
      %dma_start3A_277 = arith.constant 0 : i32
      %dma_start3A_278 = arith.constant 0 : i32
      %dma_start3A_279 = tpu.memref_slice %arg7[%dma_start3A_276, %dma_start3A_277, %dma_start3A_278] : memref<2x800x64xf32, #tpu.memory_space<vmem>> -> memref<1x800x64xf32, #tpu.memory_space<vmem>>
      %dma_start3A_280 = tpu.memref_squeeze %dma_start3A_279 : memref<1x800x64xf32, #tpu.memory_space<vmem>> -> memref<800x64xf32, #tpu.memory_space<vmem>>
      %dma_start3A_281 = arith.constant 0 : i32
      %dma_start3A_282 = tpu.memref_slice %arg5[%mul3A_275, %dma_start3A_281] : memref<819200x64xf32, #tpu.memory_space<hbm>> -> memref<800x64xf32, #tpu.memory_space<hbm>>
      %dma_start3A_283 = arith.constant 0 : i32
      %dma_start3A_284 = tpu.memref_slice %arg5[%mul3A_275, %dma_start3A_283] : memref<819200x64xf32, #tpu.memory_space<hbm>> -> memref<800x64xf32, #tpu.memory_space<hbm>>
      %dma_start3A_285 = arith.constant 0 : i32
      %dma_start3A_286 = arith.constant 0 : i32
      %dma_start3A_287 = tpu.memref_slice %arg7[%dma_start3A_276, %dma_start3A_285, %dma_start3A_286] : memref<2x800x64xf32, #tpu.memory_space<vmem>> -> memref<1x800x64xf32, #tpu.memory_space<vmem>>
      %dma_start3A_288 = tpu.memref_squeeze %dma_start3A_287 : memref<1x800x64xf32, #tpu.memory_space<vmem>> -> memref<800x64xf32, #tpu.memory_space<vmem>>
      tpu.enqueue_dma source(%dma_start3A_288 : memref<800x64xf32, #tpu.memory_space<vmem>>) target(%dma_start3A_284 : memref<800x64xf32, #tpu.memory_space<hbm>>) target_semaphore(%arg12 : memref<!tpu.dma_semaphore, #tpu.memory_space<semaphore_mem>>)
      %add3A_289 = arith.constant 1 : i32
      %add3A_290 = arith.addi %add3A_57, %add3A_289 : i32
      %add3A_291 = arith.constant 1 : i32
      %add3A_292 = arith.addi %add3A_290, %add3A_291 : i32
      %lt3A_293 = arith.constant 32 : i32
      %lt3A_294 = arith.cmpi slt, %add3A_292, %lt3A_293 : i32
      %convert_element_type3A_295 = arith.extui %lt3A_294 : i1 to i32
      %cond3A_296 = arith.constant 0 : i32
      %cond3A_297 = arith.cmpi ne, %convert_element_type3A_295, %cond3A_296 : i32
      scf.if %cond3A_297 {
        %add3A_524 = arith.constant 1 : i32
        %add3A_525 = arith.addi %add3A_290, %add3A_524 : i32
        %mul3A_526 = arith.constant 4 : i32
        %mul3A_527 = arith.muli %add3A_525, %mul3A_526 : i32
        %add3A_528 = arith.addi %mul3A_2, %mul3A_527 : i32
        %mul3A_529 = arith.constant 192 : i32
        %mul3A_530 = arith.muli %add3A_528, %mul3A_529 : i32
        %dma_start3A_531 = arith.constant 0 : i32
        %dma_start3A_532 = arith.constant 0 : i32
        %dma_start3A_533 = tpu.memref_slice %arg6[%dma_start3A_531, %dma_start3A_532] : memref<2x768xi32, #tpu.memory_space<vmem>> -> memref<1x768xi32, #tpu.memory_space<vmem>>
        %dma_start3A_534 = tpu.memref_squeeze %dma_start3A_533 : memref<1x768xi32, #tpu.memory_space<vmem>> -> memref<768xi32, #tpu.memory_space<vmem>>
        %dma_start3A_535 = tpu.memref_slice %arg2[%mul3A_530] : memref<786432xi32, #tpu.memory_space<hbm>> -> memref<768xi32, #tpu.memory_space<hbm>>
        %dma_start3A_536 = arith.constant 0 : i32
        %dma_start3A_537 = tpu.memref_slice %arg6[%dma_start3A_531, %dma_start3A_536] : memref<2x768xi32, #tpu.memory_space<vmem>> -> memref<1x768xi32, #tpu.memory_space<vmem>>
        %dma_start3A_538 = tpu.memref_squeeze %dma_start3A_537 : memref<1x768xi32, #tpu.memory_space<vmem>> -> memref<768xi32, #tpu.memory_space<vmem>>
        %dma_start3A_539 = tpu.memref_slice %arg2[%mul3A_530] : memref<786432xi32, #tpu.memory_space<hbm>> -> memref<768xi32, #tpu.memory_space<hbm>>
        tpu.enqueue_dma source(%dma_start3A_539 : memref<768xi32, #tpu.memory_space<hbm>>) target(%dma_start3A_538 : memref<768xi32, #tpu.memory_space<vmem>>) target_semaphore(%arg8 : memref<!tpu.dma_semaphore, #tpu.memory_space<semaphore_mem>>)
      } else {
      }
      %dma_wait3A_298 = arith.constant 1 : i32
      %dma_wait3A_299 = arith.constant 0 : i32
      %dma_wait3A_300 = tpu.memref_slice %arg6[%dma_wait3A_298, %dma_wait3A_299] : memref<2x768xi32, #tpu.memory_space<vmem>> -> memref<1x768xi32, #tpu.memory_space<vmem>>
      %dma_wait3A_301 = tpu.memref_squeeze %dma_wait3A_300 : memref<1x768xi32, #tpu.memory_space<vmem>> -> memref<768xi32, #tpu.memory_space<vmem>>
      %dma_wait3A_302 = arith.constant 0 : i32
      %dma_wait3A_303 = tpu.memref_slice %arg2[%dma_wait3A_302] : memref<786432xi32, #tpu.memory_space<hbm>> -> memref<768xi32, #tpu.memory_space<hbm>>
      %dma_wait3A_304 = arith.constant 0 : i32
      %dma_wait3A_305 = tpu.memref_slice %arg6[%dma_wait3A_298, %dma_wait3A_304] : memref<2x768xi32, #tpu.memory_space<vmem>> -> memref<1x768xi32, #tpu.memory_space<vmem>>
      %dma_wait3A_306 = tpu.memref_squeeze %dma_wait3A_305 : memref<1x768xi32, #tpu.memory_space<vmem>> -> memref<768xi32, #tpu.memory_space<vmem>>
      %dma_wait3A_307 = arith.constant 0 : i32
      %dma_wait3A_308 = tpu.memref_slice %arg2[%dma_wait3A_307] : memref<786432xi32, #tpu.memory_space<hbm>> -> memref<768xi32, #tpu.memory_space<hbm>>
      tpu.wait_dma2 semaphore(%arg9 : memref<!tpu.dma_semaphore, #tpu.memory_space<semaphore_mem>>) src(%dma_wait3A_308 : memref<768xi32, #tpu.memory_space<hbm>>) dst(%dma_wait3A_306 : memref<768xi32, #tpu.memory_space<vmem>>)
      %ge3A_309 = arith.constant 2 : i32
      %ge3A_310 = arith.cmpi sge, %add3A_290, %ge3A_309 : i32
      %convert_element_type3A_311 = arith.extui %ge3A_310 : i1 to i32
      %cond3A_312 = arith.constant 0 : i32
      %cond3A_313 = arith.cmpi ne, %convert_element_type3A_311, %cond3A_312 : i32
      scf.if %cond3A_313 {
        %dma_wait3A_524 = arith.constant 1 : i32
        %dma_wait3A_525 = arith.constant 0 : i32
        %dma_wait3A_526 = arith.constant 0 : i32
        %dma_wait3A_527 = tpu.memref_slice %arg7[%dma_wait3A_524, %dma_wait3A_525, %dma_wait3A_526] : memref<2x800x64xf32, #tpu.memory_space<vmem>> -> memref<1x800x64xf32, #tpu.memory_space<vmem>>
        %dma_wait3A_528 = tpu.memref_squeeze %dma_wait3A_527 : memref<1x800x64xf32, #tpu.memory_space<vmem>> -> memref<800x64xf32, #tpu.memory_space<vmem>>
        %dma_wait3A_529 = arith.constant 0 : i32
        %dma_wait3A_530 = arith.constant 0 : i32
        %dma_wait3A_531 = tpu.memref_slice %arg5[%dma_wait3A_529, %dma_wait3A_530] : memref<819200x64xf32, #tpu.memory_space<hbm>> -> memref<800x64xf32, #tpu.memory_space<hbm>>
        %dma_wait3A_532 = arith.constant 0 : i32
        %dma_wait3A_533 = arith.constant 0 : i32
        %dma_wait3A_534 = tpu.memref_slice %arg5[%dma_wait3A_532, %dma_wait3A_533] : memref<819200x64xf32, #tpu.memory_space<hbm>> -> memref<800x64xf32, #tpu.memory_space<hbm>>
        %dma_wait3A_535 = arith.constant 0 : i32
        %dma_wait3A_536 = arith.constant 0 : i32
        %dma_wait3A_537 = tpu.memref_slice %arg7[%dma_wait3A_524, %dma_wait3A_535, %dma_wait3A_536] : memref<2x800x64xf32, #tpu.memory_space<vmem>> -> memref<1x800x64xf32, #tpu.memory_space<vmem>>
        %dma_wait3A_538 = tpu.memref_squeeze %dma_wait3A_537 : memref<1x800x64xf32, #tpu.memory_space<vmem>> -> memref<800x64xf32, #tpu.memory_space<vmem>>
        tpu.wait_dma2 semaphore(%arg13 : memref<!tpu.dma_semaphore, #tpu.memory_space<semaphore_mem>>) src(%dma_wait3A_538 : memref<800x64xf32, #tpu.memory_space<vmem>>) dst(%dma_wait3A_534 : memref<800x64xf32, #tpu.memory_space<hbm>>)
      } else {
      }
      %dma_start3A_314 = arith.constant 1 : i32
      %dma_start3A_315 = arith.constant 1 : i32
      %dma_start3A_316 = arith.constant 10 : i32
      %dma_start3A_317 = arith.constant 0 : i32
      %dma_start3A_318 = tpu.memref_slice %arg7[%dma_start3A_315, %dma_start3A_316, %dma_start3A_317] : memref<2x800x64xf32, #tpu.memory_space<vmem>> -> memref<1x96x64xf32, #tpu.memory_space<vmem>>
      %dma_start3A_319 = tpu.memref_squeeze %dma_start3A_318 : memref<1x96x64xf32, #tpu.memory_space<vmem>> -> memref<96x64xf32, #tpu.memory_space<vmem>>
      %dma_start3A_320 = arith.constant 0 : i32
      %dma_start3A_321 = tpu.memref_slice %arg6[%dma_start3A_314, %dma_start3A_320] : memref<2x768xi32, #tpu.memory_space<vmem>> -> memref<1x96xi32, #tpu.memory_space<vmem>>
      %dma_start3A_322 = tpu.memref_squeeze %dma_start3A_321 : memref<1x96xi32, #tpu.memory_space<vmem>> -> memref<96xi32, #tpu.memory_space<vmem>>
      %dma_start3A_323 = arith.constant 0 : i32
      %dma_start3A_324 = arith.constant 0 : i32
      %dma_start3A_325 = tpu.memref_slice %arg3[%dma_start3A_323, %dma_start3A_324] : memref<1000000x64xf32, #tpu.memory_space<hbm>> -> memref<1000000x64xf32, #tpu.memory_space<hbm>>
      tpu.enqueue_indirect_dma source(%dma_start3A_325 : memref<1000000x64xf32, #tpu.memory_space<hbm>>) target(%dma_start3A_319 : memref<96x64xf32, #tpu.memory_space<vmem>>) offsets(%dma_start3A_322 : memref<96xi32, #tpu.memory_space<vmem>>) semaphore(%arg11 : memref<!tpu.dma_semaphore, #tpu.memory_space<semaphore_mem>>)
      %dma_start3A_326 = arith.constant 1 : i32
      %dma_start3A_327 = arith.constant 1 : i32
      %dma_start3A_328 = arith.constant 104 : i32
      %dma_start3A_329 = arith.constant 0 : i32
      %dma_start3A_330 = tpu.memref_slice %arg7[%dma_start3A_327, %dma_start3A_328, %dma_start3A_329] : memref<2x800x64xf32, #tpu.memory_space<vmem>> -> memref<1x96x64xf32, #tpu.memory_space<vmem>>
      %dma_start3A_331 = tpu.memref_squeeze %dma_start3A_330 : memref<1x96x64xf32, #tpu.memory_space<vmem>> -> memref<96x64xf32, #tpu.memory_space<vmem>>
      %dma_start3A_332 = arith.constant 96 : i32
      %dma_start3A_333 = tpu.memref_slice %arg6[%dma_start3A_326, %dma_start3A_332] : memref<2x768xi32, #tpu.memory_space<vmem>> -> memref<1x96xi32, #tpu.memory_space<vmem>>
      %dma_start3A_334 = tpu.memref_squeeze %dma_start3A_333 : memref<1x96xi32, #tpu.memory_space<vmem>> -> memref<96xi32, #tpu.memory_space<vmem>>
      %dma_start3A_335 = arith.constant 0 : i32
      %dma_start3A_336 = arith.constant 0 : i32
      %dma_start3A_337 = tpu.memref_slice %arg3[%dma_start3A_335, %dma_start3A_336] : memref<1000000x64xf32, #tpu.memory_space<hbm>> -> memref<1000000x64xf32, #tpu.memory_space<hbm>>
      tpu.enqueue_indirect_dma source(%dma_start3A_337 : memref<1000000x64xf32, #tpu.memory_space<hbm>>) target(%dma_start3A_331 : memref<96x64xf32, #tpu.memory_space<vmem>>) offsets(%dma_start3A_334 : memref<96xi32, #tpu.memory_space<vmem>>) semaphore(%arg11 : memref<!tpu.dma_semaphore, #tpu.memory_space<semaphore_mem>>)
      %dma_start3A_338 = arith.constant 1 : i32
      %dma_start3A_339 = arith.constant 1 : i32
      %dma_start3A_340 = arith.constant 210 : i32
      %dma_start3A_341 = arith.constant 0 : i32
      %dma_start3A_342 = tpu.memref_slice %arg7[%dma_start3A_339, %dma_start3A_340, %dma_start3A_341] : memref<2x800x64xf32, #tpu.memory_space<vmem>> -> memref<1x96x64xf32, #tpu.memory_space<vmem>>
      %dma_start3A_343 = tpu.memref_squeeze %dma_start3A_342 : memref<1x96x64xf32, #tpu.memory_space<vmem>> -> memref<96x64xf32, #tpu.memory_space<vmem>>
      %dma_start3A_344 = arith.constant 192 : i32
      %dma_start3A_345 = tpu.memref_slice %arg6[%dma_start3A_338, %dma_start3A_344] : memref<2x768xi32, #tpu.memory_space<vmem>> -> memref<1x96xi32, #tpu.memory_space<vmem>>
      %dma_start3A_346 = tpu.memref_squeeze %dma_start3A_345 : memref<1x96xi32, #tpu.memory_space<vmem>> -> memref<96xi32, #tpu.memory_space<vmem>>
      %dma_start3A_347 = arith.constant 0 : i32
      %dma_start3A_348 = arith.constant 0 : i32
      %dma_start3A_349 = tpu.memref_slice %arg3[%dma_start3A_347, %dma_start3A_348] : memref<1000000x64xf32, #tpu.memory_space<hbm>> -> memref<1000000x64xf32, #tpu.memory_space<hbm>>
      tpu.enqueue_indirect_dma source(%dma_start3A_349 : memref<1000000x64xf32, #tpu.memory_space<hbm>>) target(%dma_start3A_343 : memref<96x64xf32, #tpu.memory_space<vmem>>) offsets(%dma_start3A_346 : memref<96xi32, #tpu.memory_space<vmem>>) semaphore(%arg11 : memref<!tpu.dma_semaphore, #tpu.memory_space<semaphore_mem>>)
      %dma_start3A_350 = arith.constant 1 : i32
      %dma_start3A_351 = arith.constant 1 : i32
      %dma_start3A_352 = arith.constant 304 : i32
      %dma_start3A_353 = arith.constant 0 : i32
      %dma_start3A_354 = tpu.memref_slice %arg7[%dma_start3A_351, %dma_start3A_352, %dma_start3A_353] : memref<2x800x64xf32, #tpu.memory_space<vmem>> -> memref<1x96x64xf32, #tpu.memory_space<vmem>>
      %dma_start3A_355 = tpu.memref_squeeze %dma_start3A_354 : memref<1x96x64xf32, #tpu.memory_space<vmem>> -> memref<96x64xf32, #tpu.memory_space<vmem>>
      %dma_start3A_356 = arith.constant 288 : i32
      %dma_start3A_357 = tpu.memref_slice %arg6[%dma_start3A_350, %dma_start3A_356] : memref<2x768xi32, #tpu.memory_space<vmem>> -> memref<1x96xi32, #tpu.memory_space<vmem>>
      %dma_start3A_358 = tpu.memref_squeeze %dma_start3A_357 : memref<1x96xi32, #tpu.memory_space<vmem>> -> memref<96xi32, #tpu.memory_space<vmem>>
      %dma_start3A_359 = arith.constant 0 : i32
      %dma_start3A_360 = arith.constant 0 : i32
      %dma_start3A_361 = tpu.memref_slice %arg3[%dma_start3A_359, %dma_start3A_360] : memref<1000000x64xf32, #tpu.memory_space<hbm>> -> memref<1000000x64xf32, #tpu.memory_space<hbm>>
      tpu.enqueue_indirect_dma source(%dma_start3A_361 : memref<1000000x64xf32, #tpu.memory_space<hbm>>) target(%dma_start3A_355 : memref<96x64xf32, #tpu.memory_space<vmem>>) offsets(%dma_start3A_358 : memref<96xi32, #tpu.memory_space<vmem>>) semaphore(%arg11 : memref<!tpu.dma_semaphore, #tpu.memory_space<semaphore_mem>>)
      %dma_start3A_362 = arith.constant 1 : i32
      %dma_start3A_363 = arith.constant 1 : i32
      %dma_start3A_364 = arith.constant 410 : i32
      %dma_start3A_365 = arith.constant 0 : i32
      %dma_start3A_366 = tpu.memref_slice %arg7[%dma_start3A_363, %dma_start3A_364, %dma_start3A_365] : memref<2x800x64xf32, #tpu.memory_space<vmem>> -> memref<1x96x64xf32, #tpu.memory_space<vmem>>
      %dma_start3A_367 = tpu.memref_squeeze %dma_start3A_366 : memref<1x96x64xf32, #tpu.memory_space<vmem>> -> memref<96x64xf32, #tpu.memory_space<vmem>>
      %dma_start3A_368 = arith.constant 384 : i32
      %dma_start3A_369 = tpu.memref_slice %arg6[%dma_start3A_362, %dma_start3A_368] : memref<2x768xi32, #tpu.memory_space<vmem>> -> memref<1x96xi32, #tpu.memory_space<vmem>>
      %dma_start3A_370 = tpu.memref_squeeze %dma_start3A_369 : memref<1x96xi32, #tpu.memory_space<vmem>> -> memref<96xi32, #tpu.memory_space<vmem>>
      %dma_start3A_371 = arith.constant 0 : i32
      %dma_start3A_372 = arith.constant 0 : i32
      %dma_start3A_373 = tpu.memref_slice %arg3[%dma_start3A_371, %dma_start3A_372] : memref<1000000x64xf32, #tpu.memory_space<hbm>> -> memref<1000000x64xf32, #tpu.memory_space<hbm>>
      tpu.enqueue_indirect_dma source(%dma_start3A_373 : memref<1000000x64xf32, #tpu.memory_space<hbm>>) target(%dma_start3A_367 : memref<96x64xf32, #tpu.memory_space<vmem>>) offsets(%dma_start3A_370 : memref<96xi32, #tpu.memory_space<vmem>>) semaphore(%arg11 : memref<!tpu.dma_semaphore, #tpu.memory_space<semaphore_mem>>)
      %dma_start3A_374 = arith.constant 1 : i32
      %dma_start3A_375 = arith.constant 1 : i32
      %dma_start3A_376 = arith.constant 504 : i32
      %dma_start3A_377 = arith.constant 0 : i32
      %dma_start3A_378 = tpu.memref_slice %arg7[%dma_start3A_375, %dma_start3A_376, %dma_start3A_377] : memref<2x800x64xf32, #tpu.memory_space<vmem>> -> memref<1x96x64xf32, #tpu.memory_space<vmem>>
      %dma_start3A_379 = tpu.memref_squeeze %dma_start3A_378 : memref<1x96x64xf32, #tpu.memory_space<vmem>> -> memref<96x64xf32, #tpu.memory_space<vmem>>
      %dma_start3A_380 = arith.constant 480 : i32
      %dma_start3A_381 = tpu.memref_slice %arg6[%dma_start3A_374, %dma_start3A_380] : memref<2x768xi32, #tpu.memory_space<vmem>> -> memref<1x96xi32, #tpu.memory_space<vmem>>
      %dma_start3A_382 = tpu.memref_squeeze %dma_start3A_381 : memref<1x96xi32, #tpu.memory_space<vmem>> -> memref<96xi32, #tpu.memory_space<vmem>>
      %dma_start3A_383 = arith.constant 0 : i32
      %dma_start3A_384 = arith.constant 0 : i32
      %dma_start3A_385 = tpu.memref_slice %arg3[%dma_start3A_383, %dma_start3A_384] : memref<1000000x64xf32, #tpu.memory_space<hbm>> -> memref<1000000x64xf32, #tpu.memory_space<hbm>>
      tpu.enqueue_indirect_dma source(%dma_start3A_385 : memref<1000000x64xf32, #tpu.memory_space<hbm>>) target(%dma_start3A_379 : memref<96x64xf32, #tpu.memory_space<vmem>>) offsets(%dma_start3A_382 : memref<96xi32, #tpu.memory_space<vmem>>) semaphore(%arg11 : memref<!tpu.dma_semaphore, #tpu.memory_space<semaphore_mem>>)
      %dma_start3A_386 = arith.constant 1 : i32
      %dma_start3A_387 = arith.constant 1 : i32
      %dma_start3A_388 = arith.constant 610 : i32
      %dma_start3A_389 = arith.constant 0 : i32
      %dma_start3A_390 = tpu.memref_slice %arg7[%dma_start3A_387, %dma_start3A_388, %dma_start3A_389] : memref<2x800x64xf32, #tpu.memory_space<vmem>> -> memref<1x96x64xf32, #tpu.memory_space<vmem>>
      %dma_start3A_391 = tpu.memref_squeeze %dma_start3A_390 : memref<1x96x64xf32, #tpu.memory_space<vmem>> -> memref<96x64xf32, #tpu.memory_space<vmem>>
      %dma_start3A_392 = arith.constant 576 : i32
      %dma_start3A_393 = tpu.memref_slice %arg6[%dma_start3A_386, %dma_start3A_392] : memref<2x768xi32, #tpu.memory_space<vmem>> -> memref<1x96xi32, #tpu.memory_space<vmem>>
      %dma_start3A_394 = tpu.memref_squeeze %dma_start3A_393 : memref<1x96xi32, #tpu.memory_space<vmem>> -> memref<96xi32, #tpu.memory_space<vmem>>
      %dma_start3A_395 = arith.constant 0 : i32
      %dma_start3A_396 = arith.constant 0 : i32
      %dma_start3A_397 = tpu.memref_slice %arg3[%dma_start3A_395, %dma_start3A_396] : memref<1000000x64xf32, #tpu.memory_space<hbm>> -> memref<1000000x64xf32, #tpu.memory_space<hbm>>
      tpu.enqueue_indirect_dma source(%dma_start3A_397 : memref<1000000x64xf32, #tpu.memory_space<hbm>>) target(%dma_start3A_391 : memref<96x64xf32, #tpu.memory_space<vmem>>) offsets(%dma_start3A_394 : memref<96xi32, #tpu.memory_space<vmem>>) semaphore(%arg11 : memref<!tpu.dma_semaphore, #tpu.memory_space<semaphore_mem>>)
      %dma_start3A_398 = arith.constant 1 : i32
      %dma_start3A_399 = arith.constant 1 : i32
      %dma_start3A_400 = arith.constant 704 : i32
      %dma_start3A_401 = arith.constant 0 : i32
      %dma_start3A_402 = tpu.memref_slice %arg7[%dma_start3A_399, %dma_start3A_400, %dma_start3A_401] : memref<2x800x64xf32, #tpu.memory_space<vmem>> -> memref<1x96x64xf32, #tpu.memory_space<vmem>>
      %dma_start3A_403 = tpu.memref_squeeze %dma_start3A_402 : memref<1x96x64xf32, #tpu.memory_space<vmem>> -> memref<96x64xf32, #tpu.memory_space<vmem>>
      %dma_start3A_404 = arith.constant 672 : i32
      %dma_start3A_405 = tpu.memref_slice %arg6[%dma_start3A_398, %dma_start3A_404] : memref<2x768xi32, #tpu.memory_space<vmem>> -> memref<1x96xi32, #tpu.memory_space<vmem>>
      %dma_start3A_406 = tpu.memref_squeeze %dma_start3A_405 : memref<1x96xi32, #tpu.memory_space<vmem>> -> memref<96xi32, #tpu.memory_space<vmem>>
      %dma_start3A_407 = arith.constant 0 : i32
      %dma_start3A_408 = arith.constant 0 : i32
      %dma_start3A_409 = tpu.memref_slice %arg3[%dma_start3A_407, %dma_start3A_408] : memref<1000000x64xf32, #tpu.memory_space<hbm>> -> memref<1000000x64xf32, #tpu.memory_space<hbm>>
      tpu.enqueue_indirect_dma source(%dma_start3A_409 : memref<1000000x64xf32, #tpu.memory_space<hbm>>) target(%dma_start3A_403 : memref<96x64xf32, #tpu.memory_space<vmem>>) offsets(%dma_start3A_406 : memref<96xi32, #tpu.memory_space<vmem>>) semaphore(%arg11 : memref<!tpu.dma_semaphore, #tpu.memory_space<semaphore_mem>>)
      %dma_wait3A_410 = arith.constant 1 : i32
      %dma_wait3A_411 = arith.constant 1 : i32
      %dma_wait3A_412 = arith.constant 10 : i32
      %dma_wait3A_413 = arith.constant 0 : i32
      %dma_wait3A_414 = tpu.memref_slice %arg7[%dma_wait3A_411, %dma_wait3A_412, %dma_wait3A_413] : memref<2x800x64xf32, #tpu.memory_space<vmem>> -> memref<1x96x64xf32, #tpu.memory_space<vmem>>
      %dma_wait3A_415 = tpu.memref_squeeze %dma_wait3A_414 : memref<1x96x64xf32, #tpu.memory_space<vmem>> -> memref<96x64xf32, #tpu.memory_space<vmem>>
      %dma_wait3A_416 = arith.constant 0 : i32
      %dma_wait3A_417 = tpu.memref_slice %arg6[%dma_wait3A_410, %dma_wait3A_416] : memref<2x768xi32, #tpu.memory_space<vmem>> -> memref<1x96xi32, #tpu.memory_space<vmem>>
      %dma_wait3A_418 = tpu.memref_squeeze %dma_wait3A_417 : memref<1x96xi32, #tpu.memory_space<vmem>> -> memref<96xi32, #tpu.memory_space<vmem>>
      %dma_wait3A_419 = arith.constant 0 : i32
      %dma_wait3A_420 = arith.constant 0 : i32
      %dma_wait3A_421 = tpu.memref_slice %arg3[%dma_wait3A_419, %dma_wait3A_420] : memref<1000000x64xf32, #tpu.memory_space<hbm>> -> memref<1000000x64xf32, #tpu.memory_space<hbm>>
      tpu.wait_indirect_dma semaphore(%arg11 : memref<!tpu.dma_semaphore, #tpu.memory_space<semaphore_mem>>) src(%dma_wait3A_421 : memref<1000000x64xf32, #tpu.memory_space<hbm>>) dst(%dma_wait3A_415 : memref<96x64xf32, #tpu.memory_space<vmem>>)
      %dma_wait3A_422 = arith.constant 1 : i32
      %dma_wait3A_423 = arith.constant 1 : i32
      %dma_wait3A_424 = arith.constant 104 : i32
      %dma_wait3A_425 = arith.constant 0 : i32
      %dma_wait3A_426 = tpu.memref_slice %arg7[%dma_wait3A_423, %dma_wait3A_424, %dma_wait3A_425] : memref<2x800x64xf32, #tpu.memory_space<vmem>> -> memref<1x96x64xf32, #tpu.memory_space<vmem>>
      %dma_wait3A_427 = tpu.memref_squeeze %dma_wait3A_426 : memref<1x96x64xf32, #tpu.memory_space<vmem>> -> memref<96x64xf32, #tpu.memory_space<vmem>>
      %dma_wait3A_428 = arith.constant 96 : i32
      %dma_wait3A_429 = tpu.memref_slice %arg6[%dma_wait3A_422, %dma_wait3A_428] : memref<2x768xi32, #tpu.memory_space<vmem>> -> memref<1x96xi32, #tpu.memory_space<vmem>>
      %dma_wait3A_430 = tpu.memref_squeeze %dma_wait3A_429 : memref<1x96xi32, #tpu.memory_space<vmem>> -> memref<96xi32, #tpu.memory_space<vmem>>
      %dma_wait3A_431 = arith.constant 0 : i32
      %dma_wait3A_432 = arith.constant 0 : i32
      %dma_wait3A_433 = tpu.memref_slice %arg3[%dma_wait3A_431, %dma_wait3A_432] : memref<1000000x64xf32, #tpu.memory_space<hbm>> -> memref<1000000x64xf32, #tpu.memory_space<hbm>>
      tpu.wait_indirect_dma semaphore(%arg11 : memref<!tpu.dma_semaphore, #tpu.memory_space<semaphore_mem>>) src(%dma_wait3A_433 : memref<1000000x64xf32, #tpu.memory_space<hbm>>) dst(%dma_wait3A_427 : memref<96x64xf32, #tpu.memory_space<vmem>>)
      %dma_wait3A_434 = arith.constant 1 : i32
      %dma_wait3A_435 = arith.constant 1 : i32
      %dma_wait3A_436 = arith.constant 210 : i32
      %dma_wait3A_437 = arith.constant 0 : i32
      %dma_wait3A_438 = tpu.memref_slice %arg7[%dma_wait3A_435, %dma_wait3A_436, %dma_wait3A_437] : memref<2x800x64xf32, #tpu.memory_space<vmem>> -> memref<1x96x64xf32, #tpu.memory_space<vmem>>
      %dma_wait3A_439 = tpu.memref_squeeze %dma_wait3A_438 : memref<1x96x64xf32, #tpu.memory_space<vmem>> -> memref<96x64xf32, #tpu.memory_space<vmem>>
      %dma_wait3A_440 = arith.constant 192 : i32
      %dma_wait3A_441 = tpu.memref_slice %arg6[%dma_wait3A_434, %dma_wait3A_440] : memref<2x768xi32, #tpu.memory_space<vmem>> -> memref<1x96xi32, #tpu.memory_space<vmem>>
      %dma_wait3A_442 = tpu.memref_squeeze %dma_wait3A_441 : memref<1x96xi32, #tpu.memory_space<vmem>> -> memref<96xi32, #tpu.memory_space<vmem>>
      %dma_wait3A_443 = arith.constant 0 : i32
      %dma_wait3A_444 = arith.constant 0 : i32
      %dma_wait3A_445 = tpu.memref_slice %arg3[%dma_wait3A_443, %dma_wait3A_444] : memref<1000000x64xf32, #tpu.memory_space<hbm>> -> memref<1000000x64xf32, #tpu.memory_space<hbm>>
      tpu.wait_indirect_dma semaphore(%arg11 : memref<!tpu.dma_semaphore, #tpu.memory_space<semaphore_mem>>) src(%dma_wait3A_445 : memref<1000000x64xf32, #tpu.memory_space<hbm>>) dst(%dma_wait3A_439 : memref<96x64xf32, #tpu.memory_space<vmem>>)
      %dma_wait3A_446 = arith.constant 1 : i32
      %dma_wait3A_447 = arith.constant 1 : i32
      %dma_wait3A_448 = arith.constant 304 : i32
      %dma_wait3A_449 = arith.constant 0 : i32
      %dma_wait3A_450 = tpu.memref_slice %arg7[%dma_wait3A_447, %dma_wait3A_448, %dma_wait3A_449] : memref<2x800x64xf32, #tpu.memory_space<vmem>> -> memref<1x96x64xf32, #tpu.memory_space<vmem>>
      %dma_wait3A_451 = tpu.memref_squeeze %dma_wait3A_450 : memref<1x96x64xf32, #tpu.memory_space<vmem>> -> memref<96x64xf32, #tpu.memory_space<vmem>>
      %dma_wait3A_452 = arith.constant 288 : i32
      %dma_wait3A_453 = tpu.memref_slice %arg6[%dma_wait3A_446, %dma_wait3A_452] : memref<2x768xi32, #tpu.memory_space<vmem>> -> memref<1x96xi32, #tpu.memory_space<vmem>>
      %dma_wait3A_454 = tpu.memref_squeeze %dma_wait3A_453 : memref<1x96xi32, #tpu.memory_space<vmem>> -> memref<96xi32, #tpu.memory_space<vmem>>
      %dma_wait3A_455 = arith.constant 0 : i32
      %dma_wait3A_456 = arith.constant 0 : i32
      %dma_wait3A_457 = tpu.memref_slice %arg3[%dma_wait3A_455, %dma_wait3A_456] : memref<1000000x64xf32, #tpu.memory_space<hbm>> -> memref<1000000x64xf32, #tpu.memory_space<hbm>>
      tpu.wait_indirect_dma semaphore(%arg11 : memref<!tpu.dma_semaphore, #tpu.memory_space<semaphore_mem>>) src(%dma_wait3A_457 : memref<1000000x64xf32, #tpu.memory_space<hbm>>) dst(%dma_wait3A_451 : memref<96x64xf32, #tpu.memory_space<vmem>>)
      %dma_wait3A_458 = arith.constant 1 : i32
      %dma_wait3A_459 = arith.constant 1 : i32
      %dma_wait3A_460 = arith.constant 410 : i32
      %dma_wait3A_461 = arith.constant 0 : i32
      %dma_wait3A_462 = tpu.memref_slice %arg7[%dma_wait3A_459, %dma_wait3A_460, %dma_wait3A_461] : memref<2x800x64xf32, #tpu.memory_space<vmem>> -> memref<1x96x64xf32, #tpu.memory_space<vmem>>
      %dma_wait3A_463 = tpu.memref_squeeze %dma_wait3A_462 : memref<1x96x64xf32, #tpu.memory_space<vmem>> -> memref<96x64xf32, #tpu.memory_space<vmem>>
      %dma_wait3A_464 = arith.constant 384 : i32
      %dma_wait3A_465 = tpu.memref_slice %arg6[%dma_wait3A_458, %dma_wait3A_464] : memref<2x768xi32, #tpu.memory_space<vmem>> -> memref<1x96xi32, #tpu.memory_space<vmem>>
      %dma_wait3A_466 = tpu.memref_squeeze %dma_wait3A_465 : memref<1x96xi32, #tpu.memory_space<vmem>> -> memref<96xi32, #tpu.memory_space<vmem>>
      %dma_wait3A_467 = arith.constant 0 : i32
      %dma_wait3A_468 = arith.constant 0 : i32
      %dma_wait3A_469 = tpu.memref_slice %arg3[%dma_wait3A_467, %dma_wait3A_468] : memref<1000000x64xf32, #tpu.memory_space<hbm>> -> memref<1000000x64xf32, #tpu.memory_space<hbm>>
      tpu.wait_indirect_dma semaphore(%arg11 : memref<!tpu.dma_semaphore, #tpu.memory_space<semaphore_mem>>) src(%dma_wait3A_469 : memref<1000000x64xf32, #tpu.memory_space<hbm>>) dst(%dma_wait3A_463 : memref<96x64xf32, #tpu.memory_space<vmem>>)
      %dma_wait3A_470 = arith.constant 1 : i32
      %dma_wait3A_471 = arith.constant 1 : i32
      %dma_wait3A_472 = arith.constant 504 : i32
      %dma_wait3A_473 = arith.constant 0 : i32
      %dma_wait3A_474 = tpu.memref_slice %arg7[%dma_wait3A_471, %dma_wait3A_472, %dma_wait3A_473] : memref<2x800x64xf32, #tpu.memory_space<vmem>> -> memref<1x96x64xf32, #tpu.memory_space<vmem>>
      %dma_wait3A_475 = tpu.memref_squeeze %dma_wait3A_474 : memref<1x96x64xf32, #tpu.memory_space<vmem>> -> memref<96x64xf32, #tpu.memory_space<vmem>>
      %dma_wait3A_476 = arith.constant 480 : i32
      %dma_wait3A_477 = tpu.memref_slice %arg6[%dma_wait3A_470, %dma_wait3A_476] : memref<2x768xi32, #tpu.memory_space<vmem>> -> memref<1x96xi32, #tpu.memory_space<vmem>>
      %dma_wait3A_478 = tpu.memref_squeeze %dma_wait3A_477 : memref<1x96xi32, #tpu.memory_space<vmem>> -> memref<96xi32, #tpu.memory_space<vmem>>
      %dma_wait3A_479 = arith.constant 0 : i32
      %dma_wait3A_480 = arith.constant 0 : i32
      %dma_wait3A_481 = tpu.memref_slice %arg3[%dma_wait3A_479, %dma_wait3A_480] : memref<1000000x64xf32, #tpu.memory_space<hbm>> -> memref<1000000x64xf32, #tpu.memory_space<hbm>>
      tpu.wait_indirect_dma semaphore(%arg11 : memref<!tpu.dma_semaphore, #tpu.memory_space<semaphore_mem>>) src(%dma_wait3A_481 : memref<1000000x64xf32, #tpu.memory_space<hbm>>) dst(%dma_wait3A_475 : memref<96x64xf32, #tpu.memory_space<vmem>>)
      %dma_wait3A_482 = arith.constant 1 : i32
      %dma_wait3A_483 = arith.constant 1 : i32
      %dma_wait3A_484 = arith.constant 610 : i32
      %dma_wait3A_485 = arith.constant 0 : i32
      %dma_wait3A_486 = tpu.memref_slice %arg7[%dma_wait3A_483, %dma_wait3A_484, %dma_wait3A_485] : memref<2x800x64xf32, #tpu.memory_space<vmem>> -> memref<1x96x64xf32, #tpu.memory_space<vmem>>
      %dma_wait3A_487 = tpu.memref_squeeze %dma_wait3A_486 : memref<1x96x64xf32, #tpu.memory_space<vmem>> -> memref<96x64xf32, #tpu.memory_space<vmem>>
      %dma_wait3A_488 = arith.constant 576 : i32
      %dma_wait3A_489 = tpu.memref_slice %arg6[%dma_wait3A_482, %dma_wait3A_488] : memref<2x768xi32, #tpu.memory_space<vmem>> -> memref<1x96xi32, #tpu.memory_space<vmem>>
      %dma_wait3A_490 = tpu.memref_squeeze %dma_wait3A_489 : memref<1x96xi32, #tpu.memory_space<vmem>> -> memref<96xi32, #tpu.memory_space<vmem>>
      %dma_wait3A_491 = arith.constant 0 : i32
      %dma_wait3A_492 = arith.constant 0 : i32
      %dma_wait3A_493 = tpu.memref_slice %arg3[%dma_wait3A_491, %dma_wait3A_492] : memref<1000000x64xf32, #tpu.memory_space<hbm>> -> memref<1000000x64xf32, #tpu.memory_space<hbm>>
      tpu.wait_indirect_dma semaphore(%arg11 : memref<!tpu.dma_semaphore, #tpu.memory_space<semaphore_mem>>) src(%dma_wait3A_493 : memref<1000000x64xf32, #tpu.memory_space<hbm>>) dst(%dma_wait3A_487 : memref<96x64xf32, #tpu.memory_space<vmem>>)
      %dma_wait3A_494 = arith.constant 1 : i32
      %dma_wait3A_495 = arith.constant 1 : i32
      %dma_wait3A_496 = arith.constant 704 : i32
      %dma_wait3A_497 = arith.constant 0 : i32
      %dma_wait3A_498 = tpu.memref_slice %arg7[%dma_wait3A_495, %dma_wait3A_496, %dma_wait3A_497] : memref<2x800x64xf32, #tpu.memory_space<vmem>> -> memref<1x96x64xf32, #tpu.memory_space<vmem>>
      %dma_wait3A_499 = tpu.memref_squeeze %dma_wait3A_498 : memref<1x96x64xf32, #tpu.memory_space<vmem>> -> memref<96x64xf32, #tpu.memory_space<vmem>>
      %dma_wait3A_500 = arith.constant 672 : i32
      %dma_wait3A_501 = tpu.memref_slice %arg6[%dma_wait3A_494, %dma_wait3A_500] : memref<2x768xi32, #tpu.memory_space<vmem>> -> memref<1x96xi32, #tpu.memory_space<vmem>>
      %dma_wait3A_502 = tpu.memref_squeeze %dma_wait3A_501 : memref<1x96xi32, #tpu.memory_space<vmem>> -> memref<96xi32, #tpu.memory_space<vmem>>
      %dma_wait3A_503 = arith.constant 0 : i32
      %dma_wait3A_504 = arith.constant 0 : i32
      %dma_wait3A_505 = tpu.memref_slice %arg3[%dma_wait3A_503, %dma_wait3A_504] : memref<1000000x64xf32, #tpu.memory_space<hbm>> -> memref<1000000x64xf32, #tpu.memory_space<hbm>>
      tpu.wait_indirect_dma semaphore(%arg11 : memref<!tpu.dma_semaphore, #tpu.memory_space<semaphore_mem>>) src(%dma_wait3A_505 : memref<1000000x64xf32, #tpu.memory_space<hbm>>) dst(%dma_wait3A_499 : memref<96x64xf32, #tpu.memory_space<vmem>>)
      %mul3A_506 = arith.constant 4 : i32
      %mul3A_507 = arith.muli %add3A_290, %mul3A_506 : i32
      %add3A_508 = arith.addi %mul3A_2, %mul3A_507 : i32
      %mul3A_509 = arith.constant 200 : i32
      %mul3A_510 = arith.muli %add3A_508, %mul3A_509 : i32
      %dma_start3A_511 = arith.constant 1 : i32
      %dma_start3A_512 = arith.constant 0 : i32
      %dma_start3A_513 = arith.constant 0 : i32
      %dma_start3A_514 = tpu.memref_slice %arg7[%dma_start3A_511, %dma_start3A_512, %dma_start3A_513] : memref<2x800x64xf32, #tpu.memory_space<vmem>> -> memref<1x800x64xf32, #tpu.memory_space<vmem>>
      %dma_start3A_515 = tpu.memref_squeeze %dma_start3A_514 : memref<1x800x64xf32, #tpu.memory_space<vmem>> -> memref<800x64xf32, #tpu.memory_space<vmem>>
      %dma_start3A_516 = arith.constant 0 : i32
      %dma_start3A_517 = tpu.memref_slice %arg5[%mul3A_510, %dma_start3A_516] : memref<819200x64xf32, #tpu.memory_space<hbm>> -> memref<800x64xf32, #tpu.memory_space<hbm>>
      %dma_start3A_518 = arith.constant 0 : i32
      %dma_start3A_519 = tpu.memref_slice %arg5[%mul3A_510, %dma_start3A_518] : memref<819200x64xf32, #tpu.memory_space<hbm>> -> memref<800x64xf32, #tpu.memory_space<hbm>>
      %dma_start3A_520 = arith.constant 0 : i32
      %dma_start3A_521 = arith.constant 0 : i32
      %dma_start3A_522 = tpu.memref_slice %arg7[%dma_start3A_511, %dma_start3A_520, %dma_start3A_521] : memref<2x800x64xf32, #tpu.memory_space<vmem>> -> memref<1x800x64xf32, #tpu.memory_space<vmem>>
      %dma_start3A_523 = tpu.memref_squeeze %dma_start3A_522 : memref<1x800x64xf32, #tpu.memory_space<vmem>> -> memref<800x64xf32, #tpu.memory_space<vmem>>
      tpu.enqueue_dma source(%dma_start3A_523 : memref<800x64xf32, #tpu.memory_space<vmem>>) target(%dma_start3A_519 : memref<800x64xf32, #tpu.memory_space<hbm>>) target_semaphore(%arg13 : memref<!tpu.dma_semaphore, #tpu.memory_space<semaphore_mem>>)
    }
    %scan3A_23 = arith.constant 16 : i32
    %dma_wait3A = arith.constant 0 : i32
    %dma_wait3A_24 = arith.constant 0 : i32
    %dma_wait3A_25 = arith.constant 0 : i32
    %dma_wait3A_26 = tpu.memref_slice %arg7[%dma_wait3A, %dma_wait3A_24, %dma_wait3A_25] : memref<2x800x64xf32, #tpu.memory_space<vmem>> -> memref<1x800x64xf32, #tpu.memory_space<vmem>>
    %dma_wait3A_27 = tpu.memref_squeeze %dma_wait3A_26 : memref<1x800x64xf32, #tpu.memory_space<vmem>> -> memref<800x64xf32, #tpu.memory_space<vmem>>
    %dma_wait3A_28 = arith.constant 0 : i32
    %dma_wait3A_29 = arith.constant 0 : i32
    %dma_wait3A_30 = tpu.memref_slice %arg5[%dma_wait3A_28, %dma_wait3A_29] : memref<819200x64xf32, #tpu.memory_space<hbm>> -> memref<800x64xf32, #tpu.memory_space<hbm>>
    %dma_wait3A_31 = arith.constant 0 : i32
    %dma_wait3A_32 = arith.constant 0 : i32
    %dma_wait3A_33 = tpu.memref_slice %arg5[%dma_wait3A_31, %dma_wait3A_32] : memref<819200x64xf32, #tpu.memory_space<hbm>> -> memref<800x64xf32, #tpu.memory_space<hbm>>
    %dma_wait3A_34 = arith.constant 0 : i32
    %dma_wait3A_35 = arith.constant 0 : i32
    %dma_wait3A_36 = tpu.memref_slice %arg7[%dma_wait3A, %dma_wait3A_34, %dma_wait3A_35] : memref<2x800x64xf32, #tpu.memory_space<vmem>> -> memref<1x800x64xf32, #tpu.memory_space<vmem>>
    %dma_wait3A_37 = tpu.memref_squeeze %dma_wait3A_36 : memref<1x800x64xf32, #tpu.memory_space<vmem>> -> memref<800x64xf32, #tpu.memory_space<vmem>>
    tpu.wait_dma2 semaphore(%arg12 : memref<!tpu.dma_semaphore, #tpu.memory_space<semaphore_mem>>) src(%dma_wait3A_37 : memref<800x64xf32, #tpu.memory_space<vmem>>) dst(%dma_wait3A_33 : memref<800x64xf32, #tpu.memory_space<hbm>>)
    %dma_wait3A_38 = arith.constant 1 : i32
    %dma_wait3A_39 = arith.constant 0 : i32
    %dma_wait3A_40 = arith.constant 0 : i32
    %dma_wait3A_41 = tpu.memref_slice %arg7[%dma_wait3A_38, %dma_wait3A_39, %dma_wait3A_40] : memref<2x800x64xf32, #tpu.memory_space<vmem>> -> memref<1x800x64xf32, #tpu.memory_space<vmem>>
    %dma_wait3A_42 = tpu.memref_squeeze %dma_wait3A_41 : memref<1x800x64xf32, #tpu.memory_space<vmem>> -> memref<800x64xf32, #tpu.memory_space<vmem>>
    %dma_wait3A_43 = arith.constant 0 : i32
    %dma_wait3A_44 = arith.constant 0 : i32
    %dma_wait3A_45 = tpu.memref_slice %arg5[%dma_wait3A_43, %dma_wait3A_44] : memref<819200x64xf32, #tpu.memory_space<hbm>> -> memref<800x64xf32, #tpu.memory_space<hbm>>
    %dma_wait3A_46 = arith.constant 0 : i32
    %dma_wait3A_47 = arith.constant 0 : i32
    %dma_wait3A_48 = tpu.memref_slice %arg5[%dma_wait3A_46, %dma_wait3A_47] : memref<819200x64xf32, #tpu.memory_space<hbm>> -> memref<800x64xf32, #tpu.memory_space<hbm>>
    %dma_wait3A_49 = arith.constant 0 : i32
    %dma_wait3A_50 = arith.constant 0 : i32
    %dma_wait3A_51 = tpu.memref_slice %arg7[%dma_wait3A_38, %dma_wait3A_49, %dma_wait3A_50] : memref<2x800x64xf32, #tpu.memory_space<vmem>> -> memref<1x800x64xf32, #tpu.memory_space<vmem>>
    %dma_wait3A_52 = tpu.memref_squeeze %dma_wait3A_51 : memref<1x800x64xf32, #tpu.memory_space<vmem>> -> memref<800x64xf32, #tpu.memory_space<vmem>>
    tpu.wait_dma2 semaphore(%arg13 : memref<!tpu.dma_semaphore, #tpu.memory_space<semaphore_mem>>) src(%dma_wait3A_52 : memref<800x64xf32, #tpu.memory_space<vmem>>) dst(%dma_wait3A_48 : memref<800x64xf32, #tpu.memory_space<hbm>>)
    return
  }
}

</mosaic_0001>

<sc_bundles>
// kernel: kernel.3.cloned.1.call-start
scs
__scs_entry_jumppad:
0x0: {  	(pc) =	sbr.rel $0x88, $3  }
0x1: {  	(tag) =	ssettag $0x0;
	lr =	simm.s32 $0x1  }
0x2: {  	[smem:$0x3F9E] =	sst lr;
	_ =	strace $0xD0000000  }
0x3: {  	_ = 	snop  }
0x4: {  	_ = 	snop  }
0x5: {  	_ = 	snop  }
0x6: {  	_ = 	snop  }
0x7: {  	_ = 	snop  }
__scs_overlays_trampoline_lowered:
0x8: {  	[smem:$0x3FAD] =	sst s0  }
0x9: {  	[smem:$0x3FAE] =	sst s1  }
0xa: {  	[smem:$0x3FAF] =	sst s2  }
0xb: {  	[smem:$0x3FB0] =	sst s3  }
0xc: {  	[smem:$0x3FB1] =	sst s4  }
0xd: {  	[smem:$0x3FB2] =	sst s5  }
0xe: {  	[smem:$0x3FB3] =	sst s6  }
0xf: {  	[smem:$0x3FB4] =	sst s7  }
0x10: {  	[smem:$0x3FB5] =	sst s8  }
0x11: {  	[smem:$0x3FB6] =	sst s9;
	s0 =	simm.s32 @!p0 $0x0  }
0x12: {  	s1 =	sld [smem:$0x3F9C];
	s0 =	simm.s32 @p0 $0x1  }
0x13: {  	[smem:$0x3FB7] =	sst s0;
	s0 =	simm.s32 @!p1 $0x0  }
0x14: {  	s2 =	sld [smem:$0x3F9B];
	s0 =	simm.s32 @p1 $0x1  }
0x15: {  	[smem:$0x3FB8] =	sst s0;
	s0 =	simm.s32 @!p2 $0x0  }
0x16: {  	s3 =	sld [smem:$0x3FDB];
	s0 =	simm.s32 @p2 $0x1  }
0x17: {  	s4 =	simm.s32 $0x1BF5;
	[smem:$0x3FBA] =	sst s0  }
0x18: {  	s0 =	sld [smem:$0x3F9D];
	_ =	swait.ge [sflag:s4], $0x0  }
0x19: {  	s7 =	sld [smem:$0x3F9E]  }
0x1a: {  	s8 =	sadd.s32 $0xFFFFE003, lr  }
0x1b: {  	s9 =	sadd.s32 $0xFFFFFEF7, lr;
	s5 =	simm.s32 $0xFFFFFFFF;
	p2 =	slt.u32 s8, $0xFFFFF086  }
0x1c: {  	p1 =	slt.u32 s9, $0xF7A;
	s5 =	simm.s32 @!p2 $0x0  }
0x1d: {  	s5 =	simm.s32 @p1 $0x1;
	p0 =	seq.s32 s7, s2  }
0x1e: {  	s7 =	smul.u32 @!p0 $0xF7A, s2;
	p2 =	seq.s32 @!p0 s5, $0x0  }
0x1f: {  	s9 =	smul.u32 $0xF7A, s1;
	s8 =	simm.s32 @!p0 $0x1BF5;
	p2 =	por !p2, p0  }
0x20: {  	[sflag:s8] =	ssyncset.s32 @!p0 $0xFFFFF086;
	s6 =	sadd.s32 @!p0 s3, s7;
	s7 =	simm.s32 @!p0 $0x108  }
0x21: {  	s3 =	sadd.s32 s3, s9;
	s6 =	sadd.s32 @!p0 $0x88, s6;
	s7 =	simm.s32 @p2 $0x1082  }
0x22: {  	[simem:s7], [sflag:s8] =	dma.local @!p0 [hbm:s6], $0xF7A  }
0x23: {  	s9 =	sor.u32 $0xD0000000, s2;
	s6 =	simm.s32 $0x108;
	_ =	swait.ge @!p0 [sflag:s8], $0x0  }
0x24: {  	s3 =	sadd.s32 $0x88, s3;
	s6 =	simm.s32 @!p1 $0x1082;
	[sflag:s4] =	ssyncset.s32 $0xFFFFF086  }
0x25: {  	[simem:s6], [sflag:s4] =	dma.local [hbm:s3], $0xF7A  }
0x26: {  	[smem:$0x3F9E] =	sst s1;
	(tag) =	ssettag s2;
	_ =	strace s9  }
0x27: {  	s1 =	sld [smem:$0x3FAE]  }
0x28: {  	s2 =	sld [smem:$0x3FAF]  }
0x29: {  	s4 =	sld [smem:$0x3FB1]  }
0x2a: {  	p0 =	seq.s32 s5, $0x0;
	s5 =	sld [smem:$0x3FB2]  }
0x2b: {  	s6 =	sld [smem:$0x3FB3]  }
0x2c: {  	s7 =	sld [smem:$0x3FB4]  }
0x2d: {  	s3 =	simm.s32 $0x108;
	s8 =	sld [smem:$0x3FB5]  }
0x2e: {  	s3 =	simm.s32 @!p0 $0x1082;
	s9 =	sld [smem:$0x3FB6]  }
0x2f: {  	lr =	sadd.s32 s0, s3;
	s0 =	sld [smem:$0x3FAD]  }
0x30: {  	s3 =	sld [smem:$0x3FB0]  }
0x31: {  	[smem:$0x3FB9] =	sst s10  }
0x32: {  	s10 =	sld [smem:$0x3FB7];
	_ =	sdelay $0x3  }
0x33: {  	p0 =	seq.s32 s10, $0x1;
	s10 =	sld [smem:$0x3FB9];
	_ =	sdelay $0x3  }
0x34: {  	[smem:$0x3FB9] =	sst s10  }
0x35: {  	s10 =	sld [smem:$0x3FB8];
	_ =	sdelay $0x3  }
0x36: {  	p1 =	seq.s32 s10, $0x1;
	s10 =	sld [smem:$0x3FB9];
	_ =	sdelay $0x3  }
0x37: {  	[smem:$0x3FB9] =	sst s10  }
0x38: {  	s10 =	sld [smem:$0x3FBA]  }
0x39: {  	_ = 	snop;
	(pc) =	sbr.ind lr, $3  }
0x3a: {  	_ = 	snop  }
0x3b: {  	_ = 	snop  }
0x3c: {  	p2 =	seq.s32 s10, $0x1;
	s10 =	sld [smem:$0x3FB9]  }
0x3d: {  	_ =	shalt  }
0x3e: {  	_ =	shalt  }
0x3f: {  	_ =	shalt  }
0x40: {  	_ =	shalt  }
0x41: {  	_ =	shalt  }
0x42: {  	_ =	shalt  }
0x43: {  	_ =	shalt  }
0x44: {  	_ =	shalt  }
0x45: {  	_ =	shalt  }
0x46: {  	_ =	shalt  }
0x47: {  	_ =	shalt  }
0x48: {  	_ =	shalt  }
0x49: {  	_ =	shalt  }
0x4a: {  	_ =	shalt  }
0x4b: {  	_ =	shalt  }
0x4c: {  	_ =	shalt  }
0x4d: {  	_ =	shalt  }
0x4e: {  	_ =	shalt  }
0x4f: {  	_ =	shalt  }
0x50: {  	_ =	shalt  }
0x51: {  	_ =	shalt  }
0x52: {  	_ =	shalt  }
0x53: {  	_ =	shalt  }
0x54: {  	_ =	shalt  }
0x55: {  	_ =	shalt  }
0x56: {  	_ =	shalt  }
0x57: {  	_ =	shalt  }
0x58: {  	_ =	shalt  }
0x59: {  	_ =	shalt  }
0x5a: {  	_ =	shalt  }
0x5b: {  	_ =	shalt  }
0x5c: {  	_ =	shalt  }
0x5d: {  	_ =	shalt  }
0x5e: {  	_ =	shalt  }
0x5f: {  	_ =	shalt  }
0x60: {  	_ =	shalt  }
0x61: {  	_ =	shalt  }
0x62: {  	_ =	shalt  }
0x63: {  	_ =	shalt  }
0x64: {  	_ =	shalt  }
0x65: {  	_ =	shalt  }
0x66: {  	_ =	shalt  }
0x67: {  	_ =	shalt  }
0x68: {  	_ =	shalt  }
0x69: {  	_ =	shalt  }
0x6a: {  	_ =	shalt  }
0x6b: {  	_ =	shalt  }
0x6c: {  	_ =	shalt  }
0x6d: {  	_ =	shalt  }
0x6e: {  	_ =	shalt  }
0x6f: {  	_ =	shalt  }
0x70: {  	_ =	shalt  }
0x71: {  	_ =	shalt  }
0x72: {  	_ =	shalt  }
0x73: {  	_ =	shalt  }
0x74: {  	_ =	shalt  }
0x75: {  	_ =	shalt  }
0x76: {  	_ =	shalt  }
0x77: {  	_ =	shalt  }
0x78: {  	_ =	shalt  }
0x79: {  	_ =	shalt  }
0x7a: {  	_ =	shalt  }
0x7b: {  	_ =	shalt  }
0x7c: {  	_ =	shalt  }
0x7d: {  	_ =	shalt  }
0x7e: {  	_ =	shalt  }
0x7f: {  	_ =	shalt  }
0x80: {  	_ =	shalt  }
0x81: {  	_ =	shalt  }
0x82: {  	_ =	shalt  }
0x83: {  	_ =	shalt  }
0x84: {  	_ =	shalt  }
0x85: {  	_ =	shalt  }
0x86: {  	_ =	shalt  }
0x87: {  	_ =	shalt  }
.Lfunc_end0:
.L_simem_size_0:
called_computation.1_lowered:
.L_overlay_start_0:
0x88: {  	s2 =	sld [smem:$0x3FD9]  }
0x89: {  	s3 =	sld [smem:$0x3FFE];
	_ =	sdelay $0x1  }
0x8a: {  	s1 =	srdreg.scid  }
0x8b: {  	s0 =	sand.u32 $0x1, s1  }
0x8c: {  	s17 =	sshll.u32 s0, $0xA;
	s2 =	sadd.s32 s3, s2  }
0x8d: {  	s2 =	sadd.s32 s2, s17  }
0x8e: {  	[smem:$0x3FC5] =	sst s2  }
0x8f: {  	_ = 	snop  }
0x90: {  	s2 =	sld [smem:$0x3FD0];
	(tm) =	ssettm $0x1  }
0x91: {  	s18 =	sld [smem:$0x3FFB];
	_ =	sdelay $0x3  }
0x92: {  	_ =	strace s18  }
0x93: {  	s3 =	sld [smem:$0x3FFC];
	_ =	sdelay $0x3  }
0x94: {  	_ =	strace s3  }
0x95: {  	s3 =	sld [smem:$0x3FFD];
	_ =	sdelay $0x3  }
0x96: {  	_ =	strace s3  }
0x97: {  	_ =	strace $0x8FFFFFFF  }
0x98: {  	s19 =	sld [smem:$0x3FDB];
	_ =	sdelay $0x1  }
0x99: {  	s4 =	simm.s32 $_scs_section_size  }
0x9a: {  	s5 =	simm.s32 $_size__tile_overlayer_lowered;
	s6 =	simm.s32 $_tile_overlayer_lowered  }
0x9b: {  	s22 =	simm.s32 $0x1BFF;
	s21 =	sshll.u32 s6, $0x1;
	s3 =	sadd.s32 s4, s19  }
0x9c: {  	s7 =	simm.s32 $0x0;
	s20 =	sshll.u32 s5, $0x1;
	s5 =	sadd.s32 s21, s3  }
0x9d: {  	[timem:s7], [sflag:s22] =	dma.local [hbm:s5], s20  }
0x9e: {  	_ =	swait.ge [sflag:s22], s20  }
0x9f: {  	s4 =	ssub.s32 $0x0, s20;
	[sflag:s22] =	ssyncset.done $0x0  }
0xa0: {  	[sflag:s22] =	ssyncadd.s32 s4;
	_ =	sdelay $0x1  }
0xa1: {  	s23 =	simm.s32 $0x1B8B  }
0xa2: {  	_ =	swait.ge [sflag:s23], $0x1  }
0xa3: {  	[sflag:s23] =	ssyncset.done $0x0  }
0xa4: {  	s25 =	simm.s32 $0x1B8E;
	s24 =	sld [smem:$0x3FFE];
	[sflag:s23] =	ssyncadd.s32 $0xFFFFFFFF  }
0xa5: {  	s26 =	simm.s32 $execute0_lowered;
	[smem:$0x3FD2] =	sst s25  }
0xa6: {  	s5 =	sshll.u32 s26, $0x1;
	_ =	strace $0x80000046;
	[dreg:$0x1] =	wrdreg $0xFFFFFFFF  }
0xa7: {  	s28 =	simm.s32 $_size_execute0_lowered;
	s3 =	sadd.s32 s3, s5;
	[dreg:$0x0] =	wrdreg $0x0  }
0xa8: {  	s5 =	sshll.u32 s28, $0x1;
	[dreg:$0x2] =	wrdreg s3  }
0xa9: {  	[dreg:$0x3] =	wrdreg s5  }
0xaa: {  	[dreg:$0x4] =	wrdreg $0xC0  }
0xab: {  	_ =	task [dreg:s7], $0x5FFFF  }
0xac: {  	[dreg:$0x1] =	wrdreg $0xFFFFFFFF  }
0xad: {  	[dreg:$0x0] =	wrdreg $0x60  }
0xae: {  	[dreg:$0x2] =	wrdreg s24  }
0xaf: {  	[dreg:$0x3] =	wrdreg s2  }
0xb0: {  	[dreg:$0x4] =	wrdreg $0x9  }
0xb1: {  	_ =	task.clear_ibuf [dreg:s7], $0x5FFFF;
	_ =	strace $0x90000046  }
0xb2: {  	s29 =	simm.s32 $0x9;
	_ =	strace $0x80000048  }
0xb3: {  	_ =	swait.ge [sflag:s29], $0x1  }
0xb4: {  	[sflag:s29] =	ssyncadd.s32 $0xFFFFFFFF  }
0xb5: {  	_ =	strace $0x90000048  }
0xb6: {  	_ =	sfence  }
0xb7: {  	s30 =	sld [smem:$0x0];
	_ =	sdelay $0x2  }
0xb8: {  	s31 =	sshll.u32 s1, $0xD;
	s1 =	sshrl.u32 s1, $0x2  }
0xb9: {  	s3 =	sand.u32 $0x4000, s31;
	s1 =	sadd.s32 s1, s30  }
0xba: {  	s0 =	sor.u32 s3, s0;
	s1 =	sshll.u32 s1, $0x11  }
0xbb: {  	s0 =	sor.u32 s1, s0  }
0xbc: {  	s0 =	sadd.s32 $0x8F2B, s0  }
0xbd: {  	[sflag:s0] =	ssyncadd.remote.s32 $0x1  }
0xbe: {  	_ =	sfence.sel $0xFFFF  }
0xbf: {  	[dreg:$0x0] =	wrdreg $0xFFFFFFFF;
	(pc) =	sbr.abs _section_cstart, $3  }
0xc0: {  	[dreg:$0x1] =	wrdreg $0xFFFFFFFF  }
0xc1: {  	_ =	task.clear_ibuf [dreg:s7], $0x2FFFF;
	_ =	strace $0x9FFFFFFF  }
0xc2: {  	(tm) =	ssettm $0x7FFFFFFF  }
0xc3: {  	_ =	shalt  }
tec
execute0_lowered:
.L_overlay_start_1:
0x0: {  	(tag) =	ssettag $0x1  }
0x1: {  	s0 =	rddreg [dreg:$0x0];
	s1 =	srdreg.scid  }
0x2: {  	s11 =	stileid.u32;
	s4 =	rddreg [dreg:$0x1]  }
0x3: {  	s2 =	simm.s32 $0x0;
	s18 =	simm.s32 $0x300;
	s19 =	simm.s32 $0x1  }
0x4: {  	s20 =	simm.s32 $0x60;
	s12 =	simm.s32 $0xB600;
	s13 =	simm.s32 $0x3  }
0x5: {  	s15 =	simm.s32 $0x2;
	s16 =	simm.s32 $0x6;
	s17 =	simm.s32 $0xD080  }
0x6: {  	s14 =	simm.s32 $0x480;
	s21 =	simm.s32 $0x13480;
	s22 =	simm.s32 $0x4E0  }
0x7: {  	s23 =	simm.s32 $0x14C00;
	s24 =	simm.s32 $0x540;
	s25 =	simm.s32 $0x16680  }
0x8: {  	s28 =	simm.s32 $0x17E00;
	s29 =	simm.s32 $0x4;
	s6 =	smul.u32 $0x64000, s11  }
0x9: {  	s1 =	sand.u32 $0x1, s1;
	s3 =	sshll.u32 s11, $0x1;
	s11 =	smul.u32 $0x1800, s11  }
0xa: {  	[smem:$0x7FF] =	sst s2;
	s7 =	sadd.s32 $0xC00, s0;
	s9 =	smul.u32 $0x32000, s1  }
0xb: {  	s3 =	sor.u32 s1, s3;
	s8 =	ssub.s32 $0x2, s1;
	s1 =	smul.u32 $0xC00, s1  }
0xc: {  	_ =	strace $0x80000047;
	s5 =	smul.u32 $0xC00, s3;
	s3 =	sadd.s32 $0xF5B000, s0  }
0xd: {  	s10 =	sshrl.u32 s8, $0x1;
	s0 =	sadd.s32 $0x18C00, s0;
	s4 =	sadd.s32 s6, s4  }
0xe: {  	s30 =	sadd.s32 s11, s7;
	s11 =	simm.s32 $0x2A0;
	s6 =	simm.s32 $0xE800  }
0xf: {  	[dreg:$0x3] =	wrdreg s0;
	s26 =	ssub.s32 s8, s10;
	s31 =	sadd.s32 s1, s30  }
.Ltmp0:
0x10: {  	s8 =	simm.s32 $0x3C0;
	s10 =	simm.s32 $0x420;
	(pc) =	sbr.rel .LBB2_1-.Ltmp0, $4  }
0x11: {  	s5 =	sadd.s32 s7, s5;
	s0 =	smax.u32 s26, $0x1;
	s7 =	sadd.s32 s9, s4  }
0x12: {  	s4 =	simm.s32 $0x10280;
	s9 =	simm.s32 $0x11A00;
	[dreg:$0x4] =	wrdreg s5  }
0x13: {  	s26 =	simm.s32 $0x5A0;
	[dreg:$0x5] =	wrdreg s0;
	s0 =	sadd.s32 $0xC0, s31  }
0x14: {  	s5 =	simm.s32 $0x360;
	[dreg:$0x6] =	wrdreg s0;
	s0 =	simm.s32 $0x0  }
.LBB2_7:
0x15: {  	s0 =	simm.s32 $0x5  }
0x16: {  	_ =	swait.ge [sflag:s0], $0xC800  }
0x17: {  	[sflag:s0] =	ssyncset.done $0x0  }
0x18: {  	[sflag:s0] =	ssyncadd.s32 $0xFFFF3800  }
0x19: {  	_ =	swait.ge [sflag:s16], $0xC800  }
0x1a: {  	s31 =	rddreg [dreg:$0x7]  }
0x1b: {  	s1 =	rddreg [dreg:$0x5];
	s0 =	sadd.s32 $0x1, s31  }
0x1c: {  	p0 =	sne.s32 s0, s1  }
.Ltmp1:
0x1d: {  	_ = 	snop;
	(pc) =	sbr.rel @!p0 .LBB2_8-.Ltmp1, $3  }
0x1e: {  	_ =	sdelay $0x1  }
0x1f: {  	[sflag:s16] =	ssyncset.done $0x0  }
0x20: {  	[sflag:s16] =	ssyncadd.s32 $0xFFFF3800  }
.LBB2_1:
0x21: {  	[dreg:$0x7] =	wrdreg s0  }
0x22: {  	s1 =	rddreg [dreg:$0x3];
	s0 =	simm.s32 $0x600  }
0x23: {  	[tilespmem:s0], [sflag:$0x7] =	stream.linear.gather [hbm4b:s1+s2], $0x280, $0x38;
	[tilespmem:$0x19600] =	vst v63  }
0x24: {  	s0 =	simm.s32 $0x7  }
0x25: {  	_ =	swait.ge [sflag:s0], $0x280  }
0x26: {  	[sflag:s0] =	ssyncset.done $0x0  }
0x27: {  	s30 =	simm.s32 $0x3800;
	[sflag:s0] =	ssyncadd.s32 $0xFFFFFD80  }
0x28: {  	[tilespmem:s30], [sflag:$0x7] =	stream.linear.gather [hbm4b:s1+s2], $0x280, $0x38;
	[tilespmem:$0x19600] =	vst v63  }
0x29: {  	_ =	swait.ge [sflag:s0], $0x280  }
0x2a: {  	[sflag:s0] =	ssyncset.done $0x0  }
0x2b: {  	s30 =	simm.s32 $0x6A00;
	[sflag:s0] =	ssyncadd.s32 $0xFFFFFD80  }
0x2c: {  	[tilespmem:s30], [sflag:$0x7] =	stream.linear.gather [hbm4b:s1+s2], $0x280, $0x38;
	[tilespmem:$0x19600] =	vst v63  }
0x2d: {  	_ =	swait.ge [sflag:s0], $0x280  }
0x2e: {  	[sflag:s0] =	ssyncset.done $0x0  }
0x2f: {  	s30 =	simm.s32 $0x9C00;
	[sflag:s0] =	ssyncadd.s32 $0xFFFFFD80  }
0x30: {  	[tilespmem:s30], [sflag:$0x7] =	stream.linear.gather [hbm4b:s1+s2], $0x280, $0x38;
	[tilespmem:$0x19600] =	vst v63  }
0x31: {  	_ =	swait.ge [sflag:s0], $0x280  }
0x32: {  	[sflag:s0] =	ssyncset.done $0x0  }
0x33: {  	s30 =	simm.s32 $0xCE00;
	[sflag:s0] =	ssyncadd.s32 $0xFFFFFD80  }
0x34: {  	[tilespmem:s30], [sflag:$0x7] =	stream.linear.gather [hbm4b:s1+s2], $0x280, $0x38;
	[tilespmem:$0x19600] =	vst v63  }
0x35: {  	_ =	swait.ge [sflag:s0], $0x280  }
0x36: {  	[sflag:s0] =	ssyncset.done $0x0  }
0x37: {  	s30 =	simm.s32 $0x10000;
	[sflag:s0] =	ssyncadd.s32 $0xFFFFFD80  }
0x38: {  	[tilespmem:s30], [sflag:$0x7] =	stream.linear.gather [hbm4b:s1+s2], $0x280, $0x38;
	[tilespmem:$0x19600] =	vst v63  }
0x39: {  	_ =	swait.ge [sflag:s0], $0x280  }
0x3a: {  	[sflag:s0] =	ssyncset.done $0x0  }
0x3b: {  	s30 =	simm.s32 $0x13200;
	[sflag:s0] =	ssyncadd.s32 $0xFFFFFD80  }
0x3c: {  	[tilespmem:s30], [sflag:$0x7] =	stream.linear.gather [hbm4b:s1+s2], $0x280, $0x38;
	[tilespmem:$0x19600] =	vst v63  }
0x3d: {  	_ =	swait.ge [sflag:s0], $0x280  }
0x3e: {  	[sflag:s0] =	ssyncset.done $0x0  }
0x3f: {  	s30 =	simm.s32 $0x16400;
	[sflag:s0] =	ssyncadd.s32 $0xFFFFFD80  }
0x40: {  	[tilespmem:s30], [sflag:$0x7] =	stream.linear.gather [hbm4b:s1+s2], $0x280, $0x38;
	[tilespmem:$0x19600] =	vst v63  }
.Ltmp2:
0x41: {  	_ = 	snop;
	(pc) =	sbr.rel .LBB2_2-.Ltmp2, $4  }
0x42: {  	_ =	swait.ge [sflag:s0], $0x280  }
0x43: {  	[sflag:s0] =	ssyncset.done $0x0;
	s30 =	rddreg [dreg:$0x6]  }
0x44: {  	s31 =	simm.s32 $0x0;
	[sflag:s0] =	ssyncadd.s32 $0xFFFFFD80;
	s0 =	rddreg [dreg:$0x4]  }
0x45: {  	[tilespmem:s2], [sflag:$0x1] =	stream.linear.gather [hbm4b:s0+s2], $0x300, $0x38;
	[tilespmem:$0x19600] =	vst v63  }
.LBB2_3:
0x46: {  	_ =	swait.ge [sflag:s15], $0x300  }
0x47: {  	[sflag:s15] =	ssyncset.done $0x0  }
0x48: {  	[sflag:s15] =	ssyncadd.s32 $0xFFFFFD00  }
.LBB2_5:
0x49: {  	_ =	swait.ge [sflag:s16], $0xC800  }
0x4a: {  	[sflag:s16] =	ssyncset.done $0x0  }
0x4b: {  	[sflag:s16] =	ssyncadd.s32 $0xFFFF3800  }
.LBB2_6:
0x4c: {  	[tilespmem:s17], [sflag:$0x4] =	stream.indirect.gather [hbm4b:s3+s20], $0x40, s18, s20, $0xb8;
	[tilespmem:$0x19600] =	vst v63  }
0x4d: {  	_ = 	snop  }
0x4e: {  	[tilespmem:s6], [sflag:$0x4] =	stream.indirect.gather [hbm4b:s3+s20], $0x40, s5, s20, $0xb8;
	[tilespmem:$0x19600] =	vst v63  }
0x4f: {  	_ = 	snop  }
0x50: {  	[tilespmem:s4], [sflag:$0x4] =	stream.indirect.gather [hbm4b:s3+s20], $0x40, s8, s20, $0xb8;
	[tilespmem:$0x19600] =	vst v63  }
0x51: {  	_ = 	snop  }
0x52: {  	[tilespmem:s9], [sflag:$0x4] =	stream.indirect.gather [hbm4b:s3+s20], $0x40, s10, s20, $0xb8;
	[tilespmem:$0x19600] =	vst v63  }
0x53: {  	_ = 	snop  }
0x54: {  	[tilespmem:s21], [sflag:$0x4] =	stream.indirect.gather [hbm4b:s3+s20], $0x40, s14, s20, $0xb8;
	[tilespmem:$0x19600] =	vst v63  }
0x55: {  	_ = 	snop  }
0x56: {  	[tilespmem:s23], [sflag:$0x4] =	stream.indirect.gather [hbm4b:s3+s20], $0x40, s22, s20, $0xb8;
	[tilespmem:$0x19600] =	vst v63  }
0x57: {  	_ = 	snop  }
0x58: {  	[tilespmem:s25], [sflag:$0x4] =	stream.indirect.gather [hbm4b:s3+s20], $0x40, s24, s20, $0xb8;
	[tilespmem:$0x19600] =	vst v63  }
0x59: {  	_ = 	snop  }
0x5a: {  	[tilespmem:s28], [sflag:$0x4] =	stream.indirect.gather [hbm4b:s3+s20], $0x40, s26, s20, $0xb8;
	[tilespmem:$0x19600] =	vst v63  }
0x5b: {  	_ =	swait.ge [sflag:s29], $0x1800  }
0x5c: {  	[sflag:s29] =	ssyncset.done $0x0  }
0x5d: {  	[sflag:s29] =	ssyncadd.s32 $0xFFFFE800  }
0x5e: {  	_ =	swait.ge [sflag:s29], $0x1800  }
0x5f: {  	[sflag:s29] =	ssyncset.done $0x0  }
0x60: {  	[sflag:s29] =	ssyncadd.s32 $0xFFFFE800  }
0x61: {  	_ =	swait.ge [sflag:s29], $0x1800  }
0x62: {  	[sflag:s29] =	ssyncset.done $0x0  }
0x63: {  	[sflag:s29] =	ssyncadd.s32 $0xFFFFE800  }
0x64: {  	_ =	swait.ge [sflag:s29], $0x1800  }
0x65: {  	[sflag:s29] =	ssyncset.done $0x0  }
0x66: {  	[sflag:s29] =	ssyncadd.s32 $0xFFFFE800  }
0x67: {  	_ =	swait.ge [sflag:s29], $0x1800  }
0x68: {  	[sflag:s29] =	ssyncset.done $0x0  }
0x69: {  	[sflag:s29] =	ssyncadd.s32 $0xFFFFE800  }
0x6a: {  	_ =	swait.ge [sflag:s29], $0x1800  }
0x6b: {  	[sflag:s29] =	ssyncset.done $0x0  }
0x6c: {  	[sflag:s29] =	ssyncadd.s32 $0xFFFFE800  }
0x6d: {  	s31 =	sadd.s32 $0x3200, s31;
	_ =	swait.ge [sflag:s29], $0x1800  }
0x6e: {  	p0 =	sne.s32 s31, $0x32000;
	[sflag:s29] =	ssyncset.done $0x0  }
.Ltmp3:
0x6f: {  	[sflag:s29] =	ssyncadd.s32 $0xFFFFE800;
	(pc) =	sbr.rel @!p0 .LBB2_7-.Ltmp3, $4  }
0x70: {  	_ =	swait.ge [sflag:s29], $0x1800  }
0x71: {  	s1 =	sadd.s32 $0x1900, s1;
	[sflag:s29] =	ssyncset.done $0x0  }
0x72: {  	s0 =	simm.s32 $0xCE00;
	s30 =	sadd.s32 $0xC0, s30;
	[sflag:s29] =	ssyncadd.s32 $0xFFFFE800  }
0x73: {  	[hbm4b:s1+s2] =	stream.linear.scatter [tilespmem:s0], [sflag:$0x6], $0xC800, $0x38;
	[tilespmem:$0x19600] =	vst v63  }
.LBB2_2:
0x74: {  	s1 =	sadd.s32 $0xFFFFFFA0, s30  }
0x75: {  	[tilespmem:s18], [sflag:$0x2] =	stream.linear.gather [hbm4b:s1+s2], $0x300, $0x38;
	[tilespmem:$0x19600] =	vst v63  }
0x76: {  	_ =	swait.ge [sflag:s19], $0x300  }
0x77: {  	p0 =	seq.s32 s31, $0x0;
	[sflag:s19] =	ssyncset.done $0x0  }
0x78: {  	s1 =	simm.s32 @!p0 $0x5;
	[sflag:s19] =	ssyncadd.s32 $0xFFFFFD00  }
0x79: {  	_ =	swait.ge @!p0 [sflag:s1], $0xC800  }
0x7a: {  	[sflag:s1] =	ssyncset.done @!p0 $0x0  }
0x7b: {  	s0 =	simm.s32 $0x880;
	[sflag:s1] =	ssyncadd.s32 @!p0 $0xFFFF3800  }
0x7c: {  	[tilespmem:s0], [sflag:$0x3] =	stream.indirect.gather [hbm4b:s3+s20], $0x40, s2, s20, $0xb8;
	[tilespmem:$0x19600] =	vst v63  }
0x7d: {  	s1 =	simm.s32 $0x2000  }
0x7e: {  	[tilespmem:s1], [sflag:$0x3] =	stream.indirect.gather [hbm4b:s3+s20], $0x40, s20, s20, $0xb8;
	[tilespmem:$0x19600] =	vst v63  }
0x7f: {  	s0 =	simm.s32 $0xC0;
	s1 =	simm.s32 $0x3A80  }
0x80: {  	[tilespmem:s1], [sflag:$0x3] =	stream.indirect.gather [hbm4b:s3+s20], $0x40, s0, s20, $0xb8;
	[tilespmem:$0x19600] =	vst v63  }
0x81: {  	s0 =	simm.s32 $0x120;
	s1 =	simm.s32 $0x5200  }
0x82: {  	[tilespmem:s1], [sflag:$0x3] =	stream.indirect.gather [hbm4b:s3+s20], $0x40, s0, s20, $0xb8;
	[tilespmem:$0x19600] =	vst v63  }
0x83: {  	s0 =	simm.s32 $0x180;
	s1 =	simm.s32 $0x6C80  }
0x84: {  	[tilespmem:s1], [sflag:$0x3] =	stream.indirect.gather [hbm4b:s3+s20], $0x40, s0, s20, $0xb8;
	[tilespmem:$0x19600] =	vst v63  }
0x85: {  	s0 =	simm.s32 $0x1E0;
	s1 =	simm.s32 $0x8400  }
0x86: {  	[tilespmem:s1], [sflag:$0x3] =	stream.indirect.gather [hbm4b:s3+s20], $0x40, s0, s20, $0xb8;
	[tilespmem:$0x19600] =	vst v63  }
0x87: {  	s0 =	simm.s32 $0x240;
	s1 =	simm.s32 $0x9E80  }
0x88: {  	[tilespmem:s1], [sflag:$0x3] =	stream.indirect.gather [hbm4b:s3+s20], $0x40, s0, s20, $0xb8;
	[tilespmem:$0x19600] =	vst v63  }
0x89: {  	_ = 	snop  }
0x8a: {  	[tilespmem:s12], [sflag:$0x3] =	stream.indirect.gather [hbm4b:s3+s20], $0x40, s11, s20, $0xb8;
	[tilespmem:$0x19600] =	vst v63  }
0x8b: {  	_ =	swait.ge [sflag:s13], $0x1800  }
0x8c: {  	[sflag:s13] =	ssyncset.done $0x0  }
0x8d: {  	[sflag:s13] =	ssyncadd.s32 $0xFFFFE800  }
0x8e: {  	_ =	swait.ge [sflag:s13], $0x1800  }
0x8f: {  	[sflag:s13] =	ssyncset.done $0x0  }
0x90: {  	[sflag:s13] =	ssyncadd.s32 $0xFFFFE800  }
0x91: {  	_ =	swait.ge [sflag:s13], $0x1800  }
0x92: {  	[sflag:s13] =	ssyncset.done $0x0  }
0x93: {  	[sflag:s13] =	ssyncadd.s32 $0xFFFFE800  }
0x94: {  	_ =	swait.ge [sflag:s13], $0x1800  }
0x95: {  	[sflag:s13] =	ssyncset.done $0x0  }
0x96: {  	[sflag:s13] =	ssyncadd.s32 $0xFFFFE800  }
0x97: {  	_ =	swait.ge [sflag:s13], $0x1800  }
0x98: {  	[sflag:s13] =	ssyncset.done $0x0  }
0x99: {  	[sflag:s13] =	ssyncadd.s32 $0xFFFFE800  }
0x9a: {  	_ =	swait.ge [sflag:s13], $0x1800  }
0x9b: {  	[sflag:s13] =	ssyncset.done $0x0  }
0x9c: {  	[sflag:s13] =	ssyncadd.s32 $0xFFFFE800  }
0x9d: {  	_ =	swait.ge [sflag:s13], $0x1800  }
0x9e: {  	p1 =	sne.s32 s31, $0x2EE00;
	[sflag:s13] =	ssyncset.done $0x0  }
.Ltmp4:
0x9f: {  	[sflag:s13] =	ssyncadd.s32 $0xFFFFE800;
	(pc) =	sbr.rel @!p1 .LBB2_3-.Ltmp4, $4  }
0xa0: {  	_ =	swait.ge [sflag:s13], $0x1800  }
0xa1: {  	[sflag:s13] =	ssyncset.done $0x0  }
0xa2: {  	s1 =	sadd.s32 s31, s7;
	s0 =	simm.s32 $0x600;
	[sflag:s13] =	ssyncadd.s32 $0xFFFFE800  }
0xa3: {  	[hbm4b:s1+s2] =	stream.linear.scatter [tilespmem:s0], [sflag:$0x5], $0xC800, $0x38;
	[tilespmem:$0x19600] =	vst v63  }
0xa4: {  	[tilespmem:s2], [sflag:$0x1] =	stream.linear.gather [hbm4b:s30+s2], $0x300, $0x38;
	[tilespmem:$0x19600] =	vst v63  }
.Ltmp5:
0xa5: {  	_ = 	snop;
	(pc) =	sbr.rel @!p0 .LBB2_5-.Ltmp5, $4  }
.Ltmp6:
0xa6: {  	_ = 	snop;
	(pc) =	sbr.rel @p0 .LBB2_6-.Ltmp6, $4  }
0xa7: {  	_ =	swait.ge [sflag:s15], $0x300  }
0xa8: {  	[sflag:s15] =	ssyncset.done $0x0  }
0xa9: {  	[sflag:s15] =	ssyncadd.s32 $0xFFFFFD00  }
0xaa: {  	_ = 	snop  }
.LBB2_8:
0xab: {  	_ =	sfence.sel $0x180000  }
0xac: {  	[bflag:$0x0] =	sbarrier.arrive $0xFFFF  }
0xad: {  	_ =	strace $0x90000047  }
0xae: {  	s0 =	stileid.u32;
	[bflag:$0x2] =	sbarrier.arrive $0xFFFF  }
0xaf: {  	p0 =	sne.s32 s0, $0x0;
	s0 =	rddreg [dreg:$0x2]  }
0xb0: {  	s0 =	sadd.s32 @!p0 $0x100000, s0  }
0xb1: {  	[sflag:s0] =	ssyncadd.tile.s32 @!p0 $0x1;
	_ =	shalt  }
.Lfunc_end2:
_tile_overlayer_lowered:
.L_overlay_start_2:
0xb2: {  	(tag) =	ssettag $0x2  }
0xb3: {  	s0 =	rddreg [dreg:$0x0];
	s2 =	stileid.u32  }
0xb4: {  	s1 =	rddreg [dreg:$0x1];
	p0 =	sne.s32 s2, $0x0  }
0xb5: {  	s3 =	rddreg [dreg:$0x2];
	[bflag:$0x3] =	sbarrier.arrive $0xFFFF;
	s2 =	simm.s32 @!p0 $0x1C07  }
0xb6: {  	[timem:s3], [sflag:s2] =	dma.local @!p0 [hbm:s0], s1  }
0xb7: {  	s0 =	simm.s32 @!p0 $0x7  }
0xb8: {  	_ =	swait.ge @!p0 [sflag:s0], s1  }
0xb9: {  	s1 =	ssub.s32 @!p0 $0x0, s1;
	[sflag:s0] =	ssyncset.done @!p0 $0x0  }
0xba: {  	[sflag:s0] =	ssyncadd.s32 @!p0 s1  }
0xbb: {  	[bflag:$0x3] =	sbarrier.arrive $0xFFFF  }
0xbc: {  	_ =	shalt  }

// kernel: sparse-core-data-format-call.cloned.1.call-start
scs
called_computation_lowered:
.L_overlay_start_0:
0x0: {  	s2 =	sld [smem:$0x3FD9]  }
0x1: {  	s3 =	sld [smem:$0x3FFE];
	_ =	sdelay $0x1  }
0x2: {  	s1 =	srdreg.scid  }
0x3: {  	s0 =	sand.u32 $0x1, s1  }
0x4: {  	s18 =	sshll.u32 s0, $0xA;
	s2 =	sadd.s32 s3, s2  }
0x5: {  	s2 =	sadd.s32 s2, s18  }
0x6: {  	[smem:$0x3FC5] =	sst s2  }
0x7: {  	_ = 	snop  }
0x8: {  	s2 =	sld [smem:$0x3FD0];
	(tm) =	ssettm $0x1  }
0x9: {  	s19 =	sld [smem:$0x3FFB];
	_ =	sdelay $0x3  }
0xa: {  	_ =	strace s19  }
0xb: {  	s3 =	sld [smem:$0x3FFC];
	_ =	sdelay $0x3  }
0xc: {  	_ =	strace s3  }
0xd: {  	s3 =	sld [smem:$0x3FFD];
	_ =	sdelay $0x3  }
0xe: {  	_ =	strace s3  }
0xf: {  	_ =	strace $0x8FFFFFFF  }
0x10: {  	s20 =	sld [smem:$0x3FDB];
	_ =	sdelay $0x1  }
0x11: {  	s4 =	simm.s32 $_scs_section_size  }
0x12: {  	s5 =	simm.s32 $_size__tile_overlayer_lowered;
	s6 =	simm.s32 $_tile_overlayer_lowered  }
0x13: {  	s23 =	simm.s32 $0x1BFF;
	s22 =	sshll.u32 s6, $0x1;
	s3 =	sadd.s32 s4, s20  }
0x14: {  	s7 =	simm.s32 $0x0;
	s21 =	sshll.u32 s5, $0x1;
	s5 =	sadd.s32 s22, s3  }
0x15: {  	[timem:s7], [sflag:s23] =	dma.local [hbm:s5], s21  }
0x16: {  	_ =	swait.ge [sflag:s23], s21  }
0x17: {  	s4 =	ssub.s32 $0x0, s21;
	[sflag:s23] =	ssyncset.done $0x0  }
0x18: {  	[sflag:s23] =	ssyncadd.s32 s4;
	_ =	sdelay $0x1  }
0x19: {  	s24 =	simm.s32 $0x1B8B  }
0x1a: {  	_ =	swait.ge [sflag:s24], $0x1  }
0x1b: {  	[sflag:s24] =	ssyncset.done $0x0  }
0x1c: {  	s26 =	simm.s32 $0x1B8E;
	s25 =	sld [smem:$0x3FFE];
	[sflag:s24] =	ssyncadd.s32 $0xFFFFFFFF  }
0x1d: {  	s27 =	simm.s32 $execute0_lowered;
	[smem:$0x3FD2] =	sst s26  }
0x1e: {  	s5 =	sshll.u32 s27, $0x1;
	_ =	strace $0x80000049;
	[dreg:$0x1] =	wrdreg $0xFFFFFFFF  }
0x1f: {  	s28 =	simm.s32 $_size_execute0_lowered;
	s3 =	sadd.s32 s3, s5;
	[dreg:$0x0] =	wrdreg $0x0  }
0x20: {  	s5 =	sshll.u32 s28, $0x1;
	[dreg:$0x2] =	wrdreg s3  }
0x21: {  	[dreg:$0x3] =	wrdreg s5  }
0x22: {  	[dreg:$0x4] =	wrdreg $0xC0  }
0x23: {  	_ =	task [dreg:s7], $0x5FFFF  }
0x24: {  	[dreg:$0x1] =	wrdreg $0xFFFFFFFF  }
0x25: {  	[dreg:$0x0] =	wrdreg $0x60  }
0x26: {  	[dreg:$0x2] =	wrdreg s25  }
0x27: {  	[dreg:$0x3] =	wrdreg s2  }
0x28: {  	[dreg:$0x4] =	wrdreg $0x9  }
0x29: {  	_ =	task.clear_ibuf [dreg:s7], $0x5FFFF;
	_ =	strace $0x90000049  }
0x2a: {  	s29 =	simm.s32 $0x9;
	_ =	strace $0x8000004B  }
0x2b: {  	_ =	swait.ge [sflag:s29], $0x1  }
0x2c: {  	[sflag:s29] =	ssyncadd.s32 $0xFFFFFFFF  }
0x2d: {  	_ =	strace $0x9000004B  }
0x2e: {  	_ =	sfence  }
0x2f: {  	s30 =	sld [smem:$0x0];
	_ =	sdelay $0x2  }
0x30: {  	s31 =	sshll.u32 s1, $0xD;
	s1 =	sshrl.u32 s1, $0x2  }
0x31: {  	s3 =	sand.u32 $0x4000, s31;
	s1 =	sadd.s32 s1, s30  }
0x32: {  	s0 =	sor.u32 s3, s0;
	s1 =	sshll.u32 s1, $0x11  }
0x33: {  	s0 =	sor.u32 s1, s0  }
0x34: {  	s0 =	sadd.s32 $0x8F2B, s0  }
0x35: {  	[sflag:s0] =	ssyncadd.remote.s32 $0x1  }
0x36: {  	_ =	sfence.sel $0xFFFF  }
0x37: {  	[dreg:$0x0] =	wrdreg $0xFFFFFFFF;
	(pc) =	sbr.abs _section_cstart, $3  }
0x38: {  	[dreg:$0x1] =	wrdreg $0xFFFFFFFF  }
0x39: {  	_ =	task.clear_ibuf [dreg:s7], $0x2FFFF;
	_ =	strace $0x9FFFFFFF  }
0x3a: {  	(tm) =	ssettm $0x7FFFFFFF  }
0x3b: {  	_ =	shalt  }
tec
execute0_lowered:
.L_overlay_start_1:
0x0: {  	(tag) =	ssettag $0x1  }
0x1: {  	s0 =	srdreg.scid  }
0x2: {  	s1 =	sshll.u32 s0, $0x4  }
0x3: {  	s0 =	stileid.u32;
	s1 =	sand.u32 $0x10, s1  }
0x4: {  	s1 =	sor.u32 s0, s1  }
0x5: {  	s6 =	rddreg [dreg:$0x0];
	s4 =	simm.s32 $0x1;
	s2 =	sshll.u32 s1, $0x7  }
0x6: {  	s7 =	simm.s32 $0x2;
	s12 =	simm.s32 $0x0;
	s1 =	ssub.s32 $0x1000, s2  }
0x7: {  	s8 =	simm.s32 $0x8000;
	s13 =	simm.s32 $0x0;
	s3 =	sand.u32 $0xF80, s1  }
0x8: {  	s9 =	simm.s32 $0x0;
	s5 =	sshrl.u32 s1, $0xC;
	p0 =	sne.s32 s3, $0x0  }
.Ltmp0:
0x9: {  	s1 =	rddreg [dreg:$0x2];
	s4 =	simm.s32 @!p0 $0x0;
	(pc) =	sbr.rel .LBB1_1-.Ltmp0, $4  }
0xa: {  	s11 =	simm.s32 $0x0;
	s3 =	rddreg [dreg:$0x1];
	s5 =	sadd.s32 s4, s5  }
0xb: {  	_ =	strace $0x8000004A;
	s4 =	simm.s32 $0x1;
	s5 =	smul.u32 $0xC8, s5  }
0xc: {  	s6 =	sadd.s32 $0xC00, s6;
	s10 =	smov.u32 s2;
	[sflag:s4] =	ssyncpa.u1 $0x0  }
0xd: {  	p0 =	por $0x0, $0x0;
	[sflag:s7] =	ssyncpa.u1 $0x0;
	s7 =	sor.u32 $0x1, s5  }
.LBB1_4:
0xe: {  	s16 =	sshll.u32 s13, $0x3;
	s17 =	sand.u32 $0x78, s13  }
0xf: {  	s30 =	sand.u32 $0x7E00, s13;
	s12 =	sshll.u32 s12, $0xF;
	s16 =	sand.u32 $0xC00, s16  }
0x10: {  	[tilespmem:s15+$0x810 ss:$0x81] =	vst.msk $0xffff, v2;
	s31 =	sand.u32 $0x7, s13;
	s16 =	sor.u32 s17, s16;
	s17 =	sadd.s32 s3, s30  }
0x11: {  	[tilespmem:s15+$0x1020 ss:$0x81] =	vst.msk $0xffff, v0;
	s13 =	sshll.u32 s31, $0x12;
	s12 =	sadd.s32 s12, s17;
	s16 =	sshrl.u32 s16, $0x3  }
0x12: {  	[tilespmem:s15+$0x0 ss:$0x81] =	vst.msk $0xffff, v1;
	s13 =	sor.u32 $0x400, s13;
	s12 =	sadd.s32 s16, s12  }
0x13: {  	[hbm4b:s12+s13] =	stream.strided.scatter [tilespmem:s14], [sflag:$0x2], $0x2000, s8, s13, $0x20;
	[tilespmem:$0x8080] =	vst v63  }
.LBB1_5:
0x14: {  	s14 =	sadd.s32 $0x1, s9  }
0x15: {  	s12 =	sadd.s32 $0x1000, s10;
	s16 =	smov.u32 s10;
	p2 =	sgt.s32 s14, $0xC7  }
0x16: {  	s16 =	smov.u32 @p2 s12  }
0x17: {  	s14 =	simm.s32 @p2 $0x0;
	p2 =	sgt.s32 s16, $0xFFF  }
0x18: {  	s16 =	smov.u32 @p2 s2;
	p2 =	sne.s32 s11, s7  }
.Ltmp1:
0x19: {  	p1 =	slt.u32 s11, $0x2;
	(pc) =	sbr.rel @!p2 .LBB1_6-.Ltmp1, $4  }
0x1a: {  	s15 =	simm.s32 @!p1 $0x2  }
0x1b: {  	s13 =	smov.u32 s10;
	p0 =	por !p0, !p0;
	_ =	swait.ge @!p1 [sflag:s15], $0x2000  }
0x1c: {  	s12 =	smov.u32 s9;
	[sflag:s15] =	ssyncset.done @!p1 $0x0;
	s9 =	smov.u32 s14  }
0x1d: {  	s11 =	sadd.s32 $0x1, s11;
	[sflag:s15] =	ssyncadd.s32 @!p1 $0xFFFFE000;
	s10 =	smov.u32 s16  }
.LBB1_1:
0x1e: {  	p1 =	sge.u32 s11, s5  }
0x1f: {  	s14 =	sand.u32 @!p1 $0x1FFFFFF, s9  }
0x20: {  	s15 =	smulhi.u32 @!p1 $0x147AE15, s14;
	_ =	sdelay $0x1  }
0x21: {  	s15 =	smul.u32 @!p1 $0xC8, s15  }
0x22: {  	s16 =	sxor.u32 @!p1 $0xFFFFFFFF, s11;
	s17 =	smul.u32 @!p1 $0xC80, s10  }
0x23: {  	s31 =	sadd.s32 $0xFFFFFFFF, s11;
	s16 =	sshll.u32 @!p1 s16, $0xD;
	s14 =	ssub.s32 @!p1 s14, s15  }
0x24: {  	s15 =	sand.u32 @!p1 $0x2000, s16;
	s16 =	sadd.s32 @!p1 s6, s17;
	s14 =	sshll.u32 @!p1 s14, $0x4  }
0x25: {  	s17 =	simm.s32 @!p1 $0x6400;
	s14 =	sadd.s32 @!p1 s14, s16;
	s16 =	simm.s32 @!p1 $0x40  }
0x26: {  	[tilespmem:s15], [sflag:$0x1] =	stream.strided.gather @!p1 [hbm4b:s14+s16], $0x2000, s17, s16, $0x38;
	[tilespmem:$0x8080] =	vst v63  }
0x27: {  	p1 =	sge.u32 s31, s5  }
.Ltmp2:
0x28: {  	_ = 	snop;
	(pc) =	sbr.rel @p1 .LBB1_5-.Ltmp2, $1  }
0x29: {  	_ =	sdelay $0x3  }
0x2a: {  	s14 =	simm.s32 $0x1  }
0x2b: {  	_ =	swait.ge [sflag:s4], $0x2000;
	s14 =	simm.s32 @!p0 $0x0  }
0x2c: {  	[sflag:s4] =	ssyncset.done $0x0;
	s15 =	sshll.u32 s14, $0xD  }
0x2d: {  	[sflag:s4] =	ssyncadd.s32 $0xFFFFE000;
	s18 =	sor.u32 $0x20, s15  }
0x2e: {  	s14 =	smul.u32 $0x8100, s14;
	v3 =	vld [tilespmem:s18+$0x10]  }
0x2f: {  	s30 =	sand.u32 $0x1, s11;
	v2 =	vld [tilespmem:s18+$0xFFFFFFF0]  }
0x30: {  	s15 =	smul.u32 $0x8100, s30;
	s14 =	sshrl.u32 s14, $0x2;
	v0 =	vld [tilespmem:s18+$0x0]  }
0x31: {  	v1 =	vld [tilespmem:s18+$0xFFFFFFE0];
	s16 =	sor.u32 $0x4000, s14  }
0x32: {  	s31 =	sshrl.u32 s15, $0x2;
	s15 =	sadd.s32 $0x0, s16  }
0x33: {  	s17 =	simm.s32 $0x4;
	s18 =	sadd.s32 $0x40, s18;
	s14 =	sor.u32 $0x4000, s31;
	[tilespmem:s15+$0x1830 ss:$0x81] =	vst.msk $0xffff, v3  }
.LBB1_3:
0x34: {  	v3 =	vld [tilespmem:s18+$0x10];
	p1 =	sne.s32 s17, $0x1FC;
	[tilespmem:s15+$0x810 ss:$0x81] =	vst.msk $0xffff, v2;
	s19 =	smov.u32 s17;
	s17 =	sadd.s32 $0x4, s17  }
.Ltmp3:
0x35: {  	v2 =	vld [tilespmem:s18+$0xFFFFFFF0];
	[tilespmem:s15+$0x1020 ss:$0x81] =	vst.msk $0xffff, v0;
	(pc) =	sbr.rel @p1 .LBB1_3-.Ltmp3, $4  }
0x36: {  	v0 =	vld [tilespmem:s18+$0x0];
	[tilespmem:s15+$0x0 ss:$0x81] =	vst.msk $0xffff, v1  }
0x37: {  	s15 =	sshra.s32 s19, $0x2;
	v1 =	vld [tilespmem:s18+$0xFFFFFFE0]  }
0x38: {  	s15 =	sadd.s32 s15, s16  }
0x39: {  	s18 =	sadd.s32 $0x40, s18;
	[tilespmem:s15+$0x1830 ss:$0x81] =	vst.msk $0xffff, v3  }
.Ltmp4:
0x3a: {  	_ = 	snop;
	(pc) =	sbr.rel .LBB1_4-.Ltmp4, $1  }
0x3b: {  	_ =	sdelay $0x3  }
.LBB1_6:
0x3c: {  	_ =	sfence.sel $0x180000  }
0x3d: {  	s2 =	simm.s32 $0x1;
	[bflag:$0x0] =	sbarrier.arrive $0xFFFF  }
0x3e: {  	s31 =	simm.s32 $0x2;
	[sflag:s2] =	ssyncpa.u1 $0x1  }
0x3f: {  	[sflag:s31] =	ssyncpa.u1 $0x1  }
0x40: {  	p0 =	sne.s32 s0, $0x0;
	_ =	strace $0x9000004A  }
0x41: {  	s0 =	sadd.s32 @!p0 $0x100000, s1;
	[bflag:$0x2] =	sbarrier.arrive $0xFFFF  }
0x42: {  	[sflag:s0] =	ssyncadd.tile.s32 @!p0 $0x1;
	_ =	shalt  }
.Lfunc_end1:
_tile_overlayer_lowered:
.L_overlay_start_2:
0x43: {  	(tag) =	ssettag $0x2  }
0x44: {  	s0 =	rddreg [dreg:$0x0];
	s2 =	stileid.u32  }
0x45: {  	s1 =	rddreg [dreg:$0x1];
	p0 =	sne.s32 s2, $0x0  }
0x46: {  	s3 =	rddreg [dreg:$0x2];
	[bflag:$0x3] =	sbarrier.arrive $0xFFFF;
	s2 =	simm.s32 @!p0 $0x1C01  }
0x47: {  	[timem:s3], [sflag:s2] =	dma.local @!p0 [hbm:s0], s1  }
0x48: {  	s0 =	simm.s32 @!p0 $0x1  }
0x49: {  	_ =	swait.ge @!p0 [sflag:s0], s1  }
0x4a: {  	s1 =	ssub.s32 @!p0 $0x0, s1;
	[sflag:s0] =	ssyncset.done @!p0 $0x0  }
0x4b: {  	[sflag:s0] =	ssyncadd.s32 @!p0 s1  }
0x4c: {  	[bflag:$0x3] =	sbarrier.arrive $0xFFFF  }
0x4d: {  	_ =	shalt  }

</sc_bundles>
